<compile_context>
chip_gen: v7x
topology: tpu7x:2x2x1
jax: 0.10.2.dev20260603
libtpu: 0.0.44.dev20260713+nightly
codegen_flags: <defaults>
</compile_context>

<pallas_src>
import functools

import jax
import jax.numpy as jnp
from jax import lax
from jax.experimental import pallas as pl
from jax.experimental.pallas import tpu as pltpu
from jax.experimental.pallas import tpu_sc as plsc

NUM_ITEMS = 1_000_000
TBL = 1 << 20
TR, TC_ = TBL // 128, 128
ROWS, COLS = 16384, 200
CPAD = 256
NC, NS = 2, 16
NW = NC * NS
ROWS_PER_W = ROWS // NW
RW = 64
NWIN = ROWS_PER_W // RW
WIN = RW * CPAD
N2 = ROWS * CPAD
TSTG = 1_001_472

GB = 8
BR = ROWS // GB
BG = BR // 8
NPL = CPAD - COLS


def _table_body(x_ref, o_ref):
    x = x_ref[...]
    prev_rows = jnp.concatenate(
        [jnp.full((1, TC_), -1e30, jnp.float32), x[:-1, :]], axis=0
    )
    col = lax.broadcasted_iota(jnp.int32, (TR, TC_), 1)
    row = lax.broadcasted_iota(jnp.int32, (TR, TC_), 0)
    xsel = jnp.where(col == TC_ - 1, prev_rows, x)
    shifted = pltpu.roll(xsel, 1, axis=1)
    tbl = jax.nn.sigmoid(8.0 * shifted)
    o_ref[...] = jnp.where((row == 0) & (col == 0), 0.0, tbl).reshape(TBL)


def _pre_body(x_ref, o_ref):
    pid = pl.program_id(0)
    x3 = x_ref[...].reshape(BG, 8, COLS)
    g = lax.broadcasted_iota(jnp.int32, (BG, 8, NPL), 0)
    r = lax.broadcasted_iota(jnp.int32, (BG, 8, NPL), 1)
    l = lax.broadcasted_iota(jnp.int32, (BG, 8, NPL), 2)
    pos = ((pid * BG + g) * 8 + r) * NPL + l
    dummy = jnp.bitwise_and(pos * 40503, (1 << 19) - 1)
    o_ref[:, 0] = x3[:, :, :128]
    o_ref[:, 1] = jnp.concatenate([x3[:, :, 128:], dummy], axis=2)


def _post_body(x_ref, o_ref):
    a = x_ref[:, 0]
    b = x_ref[:, 1][:, :, : COLS - 128]
    o_ref[...] = jnp.concatenate([a, b], axis=2).reshape(BR, COLS)


@functools.partial(
    pl.kernel,
    out_type=jax.ShapeDtypeStruct((N2,), jnp.float32),
    mesh=plsc.VectorSubcoreMesh(core_axis_name="c", subcore_axis_name="s"),
    scratch_types=[
        pltpu.VMEM_SHARED((TSTG,), jnp.float32),
        pltpu.VMEM((WIN,), jnp.int32),
        pltpu.VMEM((WIN,), jnp.int32),
        pltpu.VMEM((WIN,), jnp.float32),
        pltpu.VMEM((WIN,), jnp.float32),
        pltpu.SemaphoreType.DMA,
        pltpu.SemaphoreType.DMA,
        pltpu.SemaphoreType.DMA,
        pltpu.SemaphoreType.DMA,
        pltpu.SemaphoreType.DMA,
        pltpu.SemaphoreType.DMA,
    ],
)
def _gather(table_hbm, idx_hbm, out_hbm, tbl_sp,
            idx_v0, idx_v1, out_v0, out_v1,
            in_s0, in_s1, g_s0, g_s1, st_s0, st_s1):
    c = lax.axis_index("c")
    s = lax.axis_index("s")
    wid = s * NC + c
    base = wid * (N2 // NW)

    idx_v = (idx_v0, idx_v1)
    out_v = (out_v0, out_v1)
    in_s = (in_s0, in_s1)

    in_h = [None, None]
    st_h = [None, None]
    in_h[0] = pltpu.async_copy(idx_hbm.at[pl.ds(base, WIN)], idx_v[0], in_s[0])

    seg = TSTG // NS
    pltpu.sync_copy(table_hbm.at[pl.ds(s * seg, seg)], tbl_sp.at[pl.ds(s * seg, seg)])
    plsc.subcore_barrier()

    for w in range(NWIN):
        b = w & 1
        if w + 1 < NWIN:
            off = base + (w + 1) * WIN
            in_h[1 - b] = pltpu.async_copy(
                idx_hbm.at[pl.ds(off, WIN)], idx_v[1 - b], in_s[1 - b]
            )
        in_h[b].wait()
        if w >= 2:
            st_h[b].wait()
        pltpu.async_copy(tbl_sp.at[idx_v[b]], out_v[b], (g_s0, g_s1)[b]).wait()
        st_h[b] = pltpu.async_copy(
            out_v[b], out_hbm.at[pl.ds(base + w * WIN, WIN)], (st_s0, st_s1)[b]
        )
    st_h[0].wait()
    st_h[1].wait()


def kernel(inputs, item_rating_logits):
    pad = jnp.full((TBL - NUM_ITEMS + 1,), -1e30, jnp.float32)
    x = jnp.concatenate([item_rating_logits, pad]).reshape(TR, TC_)
    table = pl.pallas_call(
        _table_body,
        out_shape=jax.ShapeDtypeStruct((TBL,), jnp.float32),
    )(x)
    idxt = pl.pallas_call(
        _pre_body,
        grid=(GB,),
        in_specs=[pl.BlockSpec((BR, COLS), lambda i: (i, 0))],
        out_specs=pl.BlockSpec((BG, 2, 8, 128), lambda i: (i, 0, 0, 0)),
        out_shape=jax.ShapeDtypeStruct((GB * BG, 2, 8, 128), jnp.int32),
    )(inputs[0])
    outt = _gather(table, idxt.reshape(N2))
    out = pl.pallas_call(
        _post_body,
        grid=(GB,),
        in_specs=[pl.BlockSpec((BG, 2, 8, 128), lambda i: (i, 0, 0, 0))],
        out_specs=pl.BlockSpec((BR, COLS), lambda i: (i, 0)),
        out_shape=jax.ShapeDtypeStruct((ROWS, COLS), jnp.float32),
    )(outt.reshape(GB * BG, 2, 8, 128))
    return out

# --- scband reference (transcript-rebuilt; emitter-appended) ---
"""Pipeline reference for scband-item-rating-29429115912557 (READ-ONLY COPY).

The authoritative reference and input builder live on the scoring server;
editing this copy changes nothing except your own understanding.
"""

import jax, jax.numpy as jnp
import numpy as np

NUM_ITEMS = 1000000
UNIFORMITY_WEIGHT = 1.0


def uniformity_loss(values, nbins, slope):
    # Soft-histogram uniformity loss over [0, 1].
    # (The original `uniformity_loss` helper is external to the provided snippet;
    #  this is a faithful soft-binned reimplementation: sigmoid-smoothed bin
    #  membership with `nbins` bins and sharpness `slope`.)
    edges = jnp.linspace(0.0, 1.0, nbins + 1, dtype=jnp.float32)
    left = edges[:-1]
    right = edges[1:]
    v = values[:, None]
    soft = jax.nn.sigmoid(slope * nbins * (v - left[None, :])) - jax.nn.sigmoid(slope * nbins * (v - right[None, :]))
    counts = jnp.mean(soft, axis=0)  # approx probability mass per bin
    uniform = 1.0 / nbins
    variance = jnp.mean((counts - uniform) ** 2)
    loss = variance * (nbins * nbins)
    return loss, variance


def setup_inputs(seed: int = 0) -> dict:
    key = jax.random.key(seed)
    k1, k2 = jax.random.split(key)
    inputs = jax.random.randint(k1, (1, 16384, 200), 0, NUM_ITEMS, dtype=jnp.int32)
    # learned parameter: item_rating_logits, shape (num_items - 1,), U(-0.25, 0.25)
    item_rating_logits = jax.random.uniform(k2, (NUM_ITEMS - 1,), minval=-0.25, maxval=0.25, dtype=jnp.float32)
    return {"inputs": inputs, "item_rating_logits": item_rating_logits}


def reference(inputs, item_rating_logits):
    # item_ratings = concat([0], sigmoid(8 * logits))
    item_ratings = jnp.concatenate(
        [jnp.zeros((1,), dtype=jnp.float32), jax.nn.sigmoid(8.0 * item_rating_logits)], axis=0
    )
    idx = inputs[0]
    ratings = jnp.take(item_ratings, idx, axis=0)
    # side-effect losses/metrics (add_loss / add_metric in the keras layer);
    # computed for fidelity but not part of the returned forward output
    if UNIFORMITY_WEIGHT > 0:
        loss, variance = uniformity_loss(item_ratings, 32, 8)
        _ = loss * UNIFORMITY_WEIGHT
    return ratings

if __name__ == "__main__":
    import jax
    _d = setup_inputs()
    print(jax.jit(kernel)(*tuple(_d.values())))

</pallas_src>

<mosaic_0001>
#map = affine_map<(d0, d1) -> (0)>
module attributes {stable_mosaic.version = 14 : i64} {
  func.func @_gather(%arg0: i32, %arg1: i32, %arg2: memref<1048576xf32, #tpu.memory_space<hbm>>, %arg3: memref<4194304xi32, #tpu.memory_space<hbm>>, %arg4: memref<4194304xf32, #tpu.memory_space<hbm>>, %arg5: memref<1001472xf32, #tpu.memory_space<vmem_shared>>, %arg6: memref<16384xi32, #tpu.memory_space<vmem>>, %arg7: memref<16384xi32, #tpu.memory_space<vmem>>, %arg8: memref<16384xf32, #tpu.memory_space<vmem>>, %arg9: memref<16384xf32, #tpu.memory_space<vmem>>, %arg10: memref<!tpu.dma_semaphore, #tpu.memory_space<semaphore_mem>>, %arg11: memref<!tpu.dma_semaphore, #tpu.memory_space<semaphore_mem>>, %arg12: memref<!tpu.dma_semaphore, #tpu.memory_space<semaphore_mem>>, %arg13: memref<!tpu.dma_semaphore, #tpu.memory_space<semaphore_mem>>, %arg14: memref<!tpu.dma_semaphore, #tpu.memory_space<semaphore_mem>>, %arg15: memref<!tpu.dma_semaphore, #tpu.memory_space<semaphore_mem>>) attributes {dimension_semantics = [#tpu.dimension_semantics<core_parallel>, #tpu.dimension_semantics<subcore_parallel>], iteration_bounds = array<i64: 2, 16>, scalar_prefetch = 0 : i64, scratch_operands = 11 : i64, tpu.core_type = #tpu.core_type<sc_vector_subcore>, window_params = [{transform_indices = #map}, {transform_indices = #map}, {transform_indices = #map}]} {
    %mul3A = arith.constant 2 : i32
    %mul3A_0 = arith.muli %arg1, %mul3A : i32
    %add3A = arith.addi %mul3A_0, %arg0 : i32
    %mul3A_1 = arith.constant 131072 : i32
    %mul3A_2 = arith.muli %add3A, %mul3A_1 : i32
    %dma_start3A = tpu.memref_slice %arg3[%mul3A_2] : memref<4194304xi32, #tpu.memory_space<hbm>> -> memref<16384xi32, #tpu.memory_space<hbm>>
    %dma_start3A_3 = tpu.memref_slice %arg3[%mul3A_2] : memref<4194304xi32, #tpu.memory_space<hbm>> -> memref<16384xi32, #tpu.memory_space<hbm>>
    tpu.enqueue_dma source(%dma_start3A_3 : memref<16384xi32, #tpu.memory_space<hbm>>) target(%arg6 : memref<16384xi32, #tpu.memory_space<vmem>>) target_semaphore(%arg10 : memref<!tpu.dma_semaphore, #tpu.memory_space<semaphore_mem>>)
    %mul3A_4 = arith.constant 62592 : i32
    %mul3A_5 = arith.muli %arg1, %mul3A_4 : i32
    %mul3A_6 = arith.constant 62592 : i32
    %mul3A_7 = arith.muli %arg1, %mul3A_6 : i32
    "tpu.region"() ({
      %run_scoped3A = tpu.sem_alloc : memref<!tpu.dma_semaphore, #tpu.memory_space<semaphore_mem>>
      %dma_start3A_131 = tpu.memref_slice %arg5[%mul3A_7] : memref<1001472xf32, #tpu.memory_space<vmem_shared>> -> memref<62592xf32, #tpu.memory_space<vmem_shared>>
      %dma_start3A_132 = tpu.memref_slice %arg2[%mul3A_5] : memref<1048576xf32, #tpu.memory_space<hbm>> -> memref<62592xf32, #tpu.memory_space<hbm>>
      tpu.enqueue_dma source(%dma_start3A_132 : memref<62592xf32, #tpu.memory_space<hbm>>) target(%dma_start3A_131 : memref<62592xf32, #tpu.memory_space<vmem_shared>>) target_semaphore(%run_scoped3A : memref<!tpu.dma_semaphore, #tpu.memory_space<semaphore_mem>>)
      %dma_wait3A_133 = tpu.memref_slice %arg5[%mul3A_7] : memref<1001472xf32, #tpu.memory_space<vmem_shared>> -> memref<62592xf32, #tpu.memory_space<vmem_shared>>
      %dma_wait3A_134 = tpu.memref_slice %arg2[%mul3A_5] : memref<1048576xf32, #tpu.memory_space<hbm>> -> memref<62592xf32, #tpu.memory_space<hbm>>
      tpu.wait_dma2 semaphore(%run_scoped3A : memref<!tpu.dma_semaphore, #tpu.memory_space<semaphore_mem>>) src(%dma_wait3A_134 : memref<62592xf32, #tpu.memory_space<hbm>>) dst(%dma_wait3A_133 : memref<62592xf32, #tpu.memory_space<vmem_shared>>)
      tpu.yield
    }) : () -> ()
    %barrier3A = arith.constant 0 : index
    tpu.barrier barrier_id(%barrier3A)
    %add3A_8 = arith.constant 16384 : i32
    %add3A_9 = arith.addi %mul3A_2, %add3A_8 : i32
    %dma_start3A_10 = tpu.memref_slice %arg3[%add3A_9] : memref<4194304xi32, #tpu.memory_space<hbm>> -> memref<16384xi32, #tpu.memory_space<hbm>>
    %dma_start3A_11 = tpu.memref_slice %arg3[%add3A_9] : memref<4194304xi32, #tpu.memory_space<hbm>> -> memref<16384xi32, #tpu.memory_space<hbm>>
    tpu.enqueue_dma source(%dma_start3A_11 : memref<16384xi32, #tpu.memory_space<hbm>>) target(%arg7 : memref<16384xi32, #tpu.memory_space<vmem>>) target_semaphore(%arg11 : memref<!tpu.dma_semaphore, #tpu.memory_space<semaphore_mem>>)
    %dma_wait3A = tpu.memref_slice %arg3[%mul3A_2] : memref<4194304xi32, #tpu.memory_space<hbm>> -> memref<16384xi32, #tpu.memory_space<hbm>>
    %dma_wait3A_12 = tpu.memref_slice %arg3[%mul3A_2] : memref<4194304xi32, #tpu.memory_space<hbm>> -> memref<16384xi32, #tpu.memory_space<hbm>>
    tpu.wait_dma2 semaphore(%arg10 : memref<!tpu.dma_semaphore, #tpu.memory_space<semaphore_mem>>) src(%dma_wait3A_12 : memref<16384xi32, #tpu.memory_space<hbm>>) dst(%arg6 : memref<16384xi32, #tpu.memory_space<vmem>>)
    %dma_start3A_13 = arith.constant 0 : i32
    %dma_start3A_14 = tpu.memref_slice %arg5[%dma_start3A_13] : memref<1001472xf32, #tpu.memory_space<vmem_shared>> -> memref<1001472xf32, #tpu.memory_space<vmem_shared>>
    tpu.enqueue_indirect_dma source(%dma_start3A_14 : memref<1001472xf32, #tpu.memory_space<vmem_shared>>) target(%arg8 : memref<16384xf32, #tpu.memory_space<vmem>>) offsets(%arg6 : memref<16384xi32, #tpu.memory_space<vmem>>) semaphore(%arg12 : memref<!tpu.dma_semaphore, #tpu.memory_space<semaphore_mem>>)
    %dma_wait3A_15 = arith.constant 0 : i32
    %dma_wait3A_16 = tpu.memref_slice %arg5[%dma_wait3A_15] : memref<1001472xf32, #tpu.memory_space<vmem_shared>> -> memref<1001472xf32, #tpu.memory_space<vmem_shared>>
    tpu.wait_indirect_dma semaphore(%arg12 : memref<!tpu.dma_semaphore, #tpu.memory_space<semaphore_mem>>) src(%dma_wait3A_16 : memref<1001472xf32, #tpu.memory_space<vmem_shared>>) dst(%arg8 : memref<16384xf32, #tpu.memory_space<vmem>>)
    %add3A_17 = arith.constant 0 : i32
    %add3A_18 = arith.addi %mul3A_2, %add3A_17 : i32
    %dma_start3A_19 = tpu.memref_slice %arg4[%add3A_18] : memref<4194304xf32, #tpu.memory_space<hbm>> -> memref<16384xf32, #tpu.memory_space<hbm>>
    %dma_start3A_20 = tpu.memref_slice %arg4[%add3A_18] : memref<4194304xf32, #tpu.memory_space<hbm>> -> memref<16384xf32, #tpu.memory_space<hbm>>
    tpu.enqueue_dma source(%arg8 : memref<16384xf32, #tpu.memory_space<vmem>>) target(%dma_start3A_20 : memref<16384xf32, #tpu.memory_space<hbm>>) target_semaphore(%arg14 : memref<!tpu.dma_semaphore, #tpu.memory_space<semaphore_mem>>)
    %add3A_21 = arith.constant 32768 : i32
    %add3A_22 = arith.addi %mul3A_2, %add3A_21 : i32
    %dma_start3A_23 = tpu.memref_slice %arg3[%add3A_22] : memref<4194304xi32, #tpu.memory_space<hbm>> -> memref<16384xi32, #tpu.memory_space<hbm>>
    %dma_start3A_24 = tpu.memref_slice %arg3[%add3A_22] : memref<4194304xi32, #tpu.memory_space<hbm>> -> memref<16384xi32, #tpu.memory_space<hbm>>
    tpu.enqueue_dma source(%dma_start3A_24 : memref<16384xi32, #tpu.memory_space<hbm>>) target(%arg6 : memref<16384xi32, #tpu.memory_space<vmem>>) target_semaphore(%arg10 : memref<!tpu.dma_semaphore, #tpu.memory_space<semaphore_mem>>)
    %dma_wait3A_25 = tpu.memref_slice %arg3[%add3A_9] : memref<4194304xi32, #tpu.memory_space<hbm>> -> memref<16384xi32, #tpu.memory_space<hbm>>
    %dma_wait3A_26 = tpu.memref_slice %arg3[%add3A_9] : memref<4194304xi32, #tpu.memory_space<hbm>> -> memref<16384xi32, #tpu.memory_space<hbm>>
    tpu.wait_dma2 semaphore(%arg11 : memref<!tpu.dma_semaphore, #tpu.memory_space<semaphore_mem>>) src(%dma_wait3A_26 : memref<16384xi32, #tpu.memory_space<hbm>>) dst(%arg7 : memref<16384xi32, #tpu.memory_space<vmem>>)
    %dma_start3A_27 = arith.constant 0 : i32
    %dma_start3A_28 = tpu.memref_slice %arg5[%dma_start3A_27] : memref<1001472xf32, #tpu.memory_space<vmem_shared>> -> memref<1001472xf32, #tpu.memory_space<vmem_shared>>
    tpu.enqueue_indirect_dma source(%dma_start3A_28 : memref<1001472xf32, #tpu.memory_space<vmem_shared>>) target(%arg9 : memref<16384xf32, #tpu.memory_space<vmem>>) offsets(%arg7 : memref<16384xi32, #tpu.memory_space<vmem>>) semaphore(%arg13 : memref<!tpu.dma_semaphore, #tpu.memory_space<semaphore_mem>>)
    %dma_wait3A_29 = arith.constant 0 : i32
    %dma_wait3A_30 = tpu.memref_slice %arg5[%dma_wait3A_29] : memref<1001472xf32, #tpu.memory_space<vmem_shared>> -> memref<1001472xf32, #tpu.memory_space<vmem_shared>>
    tpu.wait_indirect_dma semaphore(%arg13 : memref<!tpu.dma_semaphore, #tpu.memory_space<semaphore_mem>>) src(%dma_wait3A_30 : memref<1001472xf32, #tpu.memory_space<vmem_shared>>) dst(%arg9 : memref<16384xf32, #tpu.memory_space<vmem>>)
    %add3A_31 = arith.constant 16384 : i32
    %add3A_32 = arith.addi %mul3A_2, %add3A_31 : i32
    %dma_start3A_33 = tpu.memref_slice %arg4[%add3A_32] : memref<4194304xf32, #tpu.memory_space<hbm>> -> memref<16384xf32, #tpu.memory_space<hbm>>
    %dma_start3A_34 = tpu.memref_slice %arg4[%add3A_32] : memref<4194304xf32, #tpu.memory_space<hbm>> -> memref<16384xf32, #tpu.memory_space<hbm>>
    tpu.enqueue_dma source(%arg9 : memref<16384xf32, #tpu.memory_space<vmem>>) target(%dma_start3A_34 : memref<16384xf32, #tpu.memory_space<hbm>>) target_semaphore(%arg15 : memref<!tpu.dma_semaphore, #tpu.memory_space<semaphore_mem>>)
    %add3A_35 = arith.constant 49152 : i32
    %add3A_36 = arith.addi %mul3A_2, %add3A_35 : i32
    %dma_start3A_37 = tpu.memref_slice %arg3[%add3A_36] : memref<4194304xi32, #tpu.memory_space<hbm>> -> memref<16384xi32, #tpu.memory_space<hbm>>
    %dma_start3A_38 = tpu.memref_slice %arg3[%add3A_36] : memref<4194304xi32, #tpu.memory_space<hbm>> -> memref<16384xi32, #tpu.memory_space<hbm>>
    tpu.enqueue_dma source(%dma_start3A_38 : memref<16384xi32, #tpu.memory_space<hbm>>) target(%arg7 : memref<16384xi32, #tpu.memory_space<vmem>>) target_semaphore(%arg11 : memref<!tpu.dma_semaphore, #tpu.memory_space<semaphore_mem>>)
    %dma_wait3A_39 = tpu.memref_slice %arg3[%add3A_22] : memref<4194304xi32, #tpu.memory_space<hbm>> -> memref<16384xi32, #tpu.memory_space<hbm>>
    %dma_wait3A_40 = tpu.memref_slice %arg3[%add3A_22] : memref<4194304xi32, #tpu.memory_space<hbm>> -> memref<16384xi32, #tpu.memory_space<hbm>>
    tpu.wait_dma2 semaphore(%arg10 : memref<!tpu.dma_semaphore, #tpu.memory_space<semaphore_mem>>) src(%dma_wait3A_40 : memref<16384xi32, #tpu.memory_space<hbm>>) dst(%arg6 : memref<16384xi32, #tpu.memory_space<vmem>>)
    %dma_wait3A_41 = tpu.memref_slice %arg4[%add3A_18] : memref<4194304xf32, #tpu.memory_space<hbm>> -> memref<16384xf32, #tpu.memory_space<hbm>>
    %dma_wait3A_42 = tpu.memref_slice %arg4[%add3A_18] : memref<4194304xf32, #tpu.memory_space<hbm>> -> memref<16384xf32, #tpu.memory_space<hbm>>
    tpu.wait_dma2 semaphore(%arg14 : memref<!tpu.dma_semaphore, #tpu.memory_space<semaphore_mem>>) src(%arg8 : memref<16384xf32, #tpu.memory_space<vmem>>) dst(%dma_wait3A_42 : memref<16384xf32, #tpu.memory_space<hbm>>)
    %dma_start3A_43 = arith.constant 0 : i32
    %dma_start3A_44 = tpu.memref_slice %arg5[%dma_start3A_43] : memref<1001472xf32, #tpu.memory_space<vmem_shared>> -> memref<1001472xf32, #tpu.memory_space<vmem_shared>>
    tpu.enqueue_indirect_dma source(%dma_start3A_44 : memref<1001472xf32, #tpu.memory_space<vmem_shared>>) target(%arg8 : memref<16384xf32, #tpu.memory_space<vmem>>) offsets(%arg6 : memref<16384xi32, #tpu.memory_space<vmem>>) semaphore(%arg12 : memref<!tpu.dma_semaphore, #tpu.memory_space<semaphore_mem>>)
    %dma_wait3A_45 = arith.constant 0 : i32
    %dma_wait3A_46 = tpu.memref_slice %arg5[%dma_wait3A_45] : memref<1001472xf32, #tpu.memory_space<vmem_shared>> -> memref<1001472xf32, #tpu.memory_space<vmem_shared>>
    tpu.wait_indirect_dma semaphore(%arg12 : memref<!tpu.dma_semaphore, #tpu.memory_space<semaphore_mem>>) src(%dma_wait3A_46 : memref<1001472xf32, #tpu.memory_space<vmem_shared>>) dst(%arg8 : memref<16384xf32, #tpu.memory_space<vmem>>)
    %add3A_47 = arith.constant 32768 : i32
    %add3A_48 = arith.addi %mul3A_2, %add3A_47 : i32
    %dma_start3A_49 = tpu.memref_slice %arg4[%add3A_48] : memref<4194304xf32, #tpu.memory_space<hbm>> -> memref<16384xf32, #tpu.memory_space<hbm>>
    %dma_start3A_50 = tpu.memref_slice %arg4[%add3A_48] : memref<4194304xf32, #tpu.memory_space<hbm>> -> memref<16384xf32, #tpu.memory_space<hbm>>
    tpu.enqueue_dma source(%arg8 : memref<16384xf32, #tpu.memory_space<vmem>>) target(%dma_start3A_50 : memref<16384xf32, #tpu.memory_space<hbm>>) target_semaphore(%arg14 : memref<!tpu.dma_semaphore, #tpu.memory_space<semaphore_mem>>)
    %add3A_51 = arith.constant 65536 : i32
    %add3A_52 = arith.addi %mul3A_2, %add3A_51 : i32
    %dma_start3A_53 = tpu.memref_slice %arg3[%add3A_52] : memref<4194304xi32, #tpu.memory_space<hbm>> -> memref<16384xi32, #tpu.memory_space<hbm>>
    %dma_start3A_54 = tpu.memref_slice %arg3[%add3A_52] : memref<4194304xi32, #tpu.memory_space<hbm>> -> memref<16384xi32, #tpu.memory_space<hbm>>
    tpu.enqueue_dma source(%dma_start3A_54 : memref<16384xi32, #tpu.memory_space<hbm>>) target(%arg6 : memref<16384xi32, #tpu.memory_space<vmem>>) target_semaphore(%arg10 : memref<!tpu.dma_semaphore, #tpu.memory_space<semaphore_mem>>)
    %dma_wait3A_55 = tpu.memref_slice %arg3[%add3A_36] : memref<4194304xi32, #tpu.memory_space<hbm>> -> memref<16384xi32, #tpu.memory_space<hbm>>
    %dma_wait3A_56 = tpu.memref_slice %arg3[%add3A_36] : memref<4194304xi32, #tpu.memory_space<hbm>> -> memref<16384xi32, #tpu.memory_space<hbm>>
    tpu.wait_dma2 semaphore(%arg11 : memref<!tpu.dma_semaphore, #tpu.memory_space<semaphore_mem>>) src(%dma_wait3A_56 : memref<16384xi32, #tpu.memory_space<hbm>>) dst(%arg7 : memref<16384xi32, #tpu.memory_space<vmem>>)
    %dma_wait3A_57 = tpu.memref_slice %arg4[%add3A_32] : memref<4194304xf32, #tpu.memory_space<hbm>> -> memref<16384xf32, #tpu.memory_space<hbm>>
    %dma_wait3A_58 = tpu.memref_slice %arg4[%add3A_32] : memref<4194304xf32, #tpu.memory_space<hbm>> -> memref<16384xf32, #tpu.memory_space<hbm>>
    tpu.wait_dma2 semaphore(%arg15 : memref<!tpu.dma_semaphore, #tpu.memory_space<semaphore_mem>>) src(%arg9 : memref<16384xf32, #tpu.memory_space<vmem>>) dst(%dma_wait3A_58 : memref<16384xf32, #tpu.memory_space<hbm>>)
    %dma_start3A_59 = arith.constant 0 : i32
    %dma_start3A_60 = tpu.memref_slice %arg5[%dma_start3A_59] : memref<1001472xf32, #tpu.memory_space<vmem_shared>> -> memref<1001472xf32, #tpu.memory_space<vmem_shared>>
    tpu.enqueue_indirect_dma source(%dma_start3A_60 : memref<1001472xf32, #tpu.memory_space<vmem_shared>>) target(%arg9 : memref<16384xf32, #tpu.memory_space<vmem>>) offsets(%arg7 : memref<16384xi32, #tpu.memory_space<vmem>>) semaphore(%arg13 : memref<!tpu.dma_semaphore, #tpu.memory_space<semaphore_mem>>)
    %dma_wait3A_61 = arith.constant 0 : i32
    %dma_wait3A_62 = tpu.memref_slice %arg5[%dma_wait3A_61] : memref<1001472xf32, #tpu.memory_space<vmem_shared>> -> memref<1001472xf32, #tpu.memory_space<vmem_shared>>
    tpu.wait_indirect_dma semaphore(%arg13 : memref<!tpu.dma_semaphore, #tpu.memory_space<semaphore_mem>>) src(%dma_wait3A_62 : memref<1001472xf32, #tpu.memory_space<vmem_shared>>) dst(%arg9 : memref<16384xf32, #tpu.memory_space<vmem>>)
    %add3A_63 = arith.constant 49152 : i32
    %add3A_64 = arith.addi %mul3A_2, %add3A_63 : i32
    %dma_start3A_65 = tpu.memref_slice %arg4[%add3A_64] : memref<4194304xf32, #tpu.memory_space<hbm>> -> memref<16384xf32, #tpu.memory_space<hbm>>
    %dma_start3A_66 = tpu.memref_slice %arg4[%add3A_64] : memref<4194304xf32, #tpu.memory_space<hbm>> -> memref<16384xf32, #tpu.memory_space<hbm>>
    tpu.enqueue_dma source(%arg9 : memref<16384xf32, #tpu.memory_space<vmem>>) target(%dma_start3A_66 : memref<16384xf32, #tpu.memory_space<hbm>>) target_semaphore(%arg15 : memref<!tpu.dma_semaphore, #tpu.memory_space<semaphore_mem>>)
    %add3A_67 = arith.constant 81920 : i32
    %add3A_68 = arith.addi %mul3A_2, %add3A_67 : i32
    %dma_start3A_69 = tpu.memref_slice %arg3[%add3A_68] : memref<4194304xi32, #tpu.memory_space<hbm>> -> memref<16384xi32, #tpu.memory_space<hbm>>
    %dma_start3A_70 = tpu.memref_slice %arg3[%add3A_68] : memref<4194304xi32, #tpu.memory_space<hbm>> -> memref<16384xi32, #tpu.memory_space<hbm>>
    tpu.enqueue_dma source(%dma_start3A_70 : memref<16384xi32, #tpu.memory_space<hbm>>) target(%arg7 : memref<16384xi32, #tpu.memory_space<vmem>>) target_semaphore(%arg11 : memref<!tpu.dma_semaphore, #tpu.memory_space<semaphore_mem>>)
    %dma_wait3A_71 = tpu.memref_slice %arg3[%add3A_52] : memref<4194304xi32, #tpu.memory_space<hbm>> -> memref<16384xi32, #tpu.memory_space<hbm>>
    %dma_wait3A_72 = tpu.memref_slice %arg3[%add3A_52] : memref<4194304xi32, #tpu.memory_space<hbm>> -> memref<16384xi32, #tpu.memory_space<hbm>>
    tpu.wait_dma2 semaphore(%arg10 : memref<!tpu.dma_semaphore, #tpu.memory_space<semaphore_mem>>) src(%dma_wait3A_72 : memref<16384xi32, #tpu.memory_space<hbm>>) dst(%arg6 : memref<16384xi32, #tpu.memory_space<vmem>>)
    %dma_wait3A_73 = tpu.memref_slice %arg4[%add3A_48] : memref<4194304xf32, #tpu.memory_space<hbm>> -> memref<16384xf32, #tpu.memory_space<hbm>>
    %dma_wait3A_74 = tpu.memref_slice %arg4[%add3A_48] : memref<4194304xf32, #tpu.memory_space<hbm>> -> memref<16384xf32, #tpu.memory_space<hbm>>
    tpu.wait_dma2 semaphore(%arg14 : memref<!tpu.dma_semaphore, #tpu.memory_space<semaphore_mem>>) src(%arg8 : memref<16384xf32, #tpu.memory_space<vmem>>) dst(%dma_wait3A_74 : memref<16384xf32, #tpu.memory_space<hbm>>)
    %dma_start3A_75 = arith.constant 0 : i32
    %dma_start3A_76 = tpu.memref_slice %arg5[%dma_start3A_75] : memref<1001472xf32, #tpu.memory_space<vmem_shared>> -> memref<1001472xf32, #tpu.memory_space<vmem_shared>>
    tpu.enqueue_indirect_dma source(%dma_start3A_76 : memref<1001472xf32, #tpu.memory_space<vmem_shared>>) target(%arg8 : memref<16384xf32, #tpu.memory_space<vmem>>) offsets(%arg6 : memref<16384xi32, #tpu.memory_space<vmem>>) semaphore(%arg12 : memref<!tpu.dma_semaphore, #tpu.memory_space<semaphore_mem>>)
    %dma_wait3A_77 = arith.constant 0 : i32
    %dma_wait3A_78 = tpu.memref_slice %arg5[%dma_wait3A_77] : memref<1001472xf32, #tpu.memory_space<vmem_shared>> -> memref<1001472xf32, #tpu.memory_space<vmem_shared>>
    tpu.wait_indirect_dma semaphore(%arg12 : memref<!tpu.dma_semaphore, #tpu.memory_space<semaphore_mem>>) src(%dma_wait3A_78 : memref<1001472xf32, #tpu.memory_space<vmem_shared>>) dst(%arg8 : memref<16384xf32, #tpu.memory_space<vmem>>)
    %add3A_79 = arith.constant 65536 : i32
    %add3A_80 = arith.addi %mul3A_2, %add3A_79 : i32
    %dma_start3A_81 = tpu.memref_slice %arg4[%add3A_80] : memref<4194304xf32, #tpu.memory_space<hbm>> -> memref<16384xf32, #tpu.memory_space<hbm>>
    %dma_start3A_82 = tpu.memref_slice %arg4[%add3A_80] : memref<4194304xf32, #tpu.memory_space<hbm>> -> memref<16384xf32, #tpu.memory_space<hbm>>
    tpu.enqueue_dma source(%arg8 : memref<16384xf32, #tpu.memory_space<vmem>>) target(%dma_start3A_82 : memref<16384xf32, #tpu.memory_space<hbm>>) target_semaphore(%arg14 : memref<!tpu.dma_semaphore, #tpu.memory_space<semaphore_mem>>)
    %add3A_83 = arith.constant 98304 : i32
    %add3A_84 = arith.addi %mul3A_2, %add3A_83 : i32
    %dma_start3A_85 = tpu.memref_slice %arg3[%add3A_84] : memref<4194304xi32, #tpu.memory_space<hbm>> -> memref<16384xi32, #tpu.memory_space<hbm>>
    %dma_start3A_86 = tpu.memref_slice %arg3[%add3A_84] : memref<4194304xi32, #tpu.memory_space<hbm>> -> memref<16384xi32, #tpu.memory_space<hbm>>
    tpu.enqueue_dma source(%dma_start3A_86 : memref<16384xi32, #tpu.memory_space<hbm>>) target(%arg6 : memref<16384xi32, #tpu.memory_space<vmem>>) target_semaphore(%arg10 : memref<!tpu.dma_semaphore, #tpu.memory_space<semaphore_mem>>)
    %dma_wait3A_87 = tpu.memref_slice %arg3[%add3A_68] : memref<4194304xi32, #tpu.memory_space<hbm>> -> memref<16384xi32, #tpu.memory_space<hbm>>
    %dma_wait3A_88 = tpu.memref_slice %arg3[%add3A_68] : memref<4194304xi32, #tpu.memory_space<hbm>> -> memref<16384xi32, #tpu.memory_space<hbm>>
    tpu.wait_dma2 semaphore(%arg11 : memref<!tpu.dma_semaphore, #tpu.memory_space<semaphore_mem>>) src(%dma_wait3A_88 : memref<16384xi32, #tpu.memory_space<hbm>>) dst(%arg7 : memref<16384xi32, #tpu.memory_space<vmem>>)
    %dma_wait3A_89 = tpu.memref_slice %arg4[%add3A_64] : memref<4194304xf32, #tpu.memory_space<hbm>> -> memref<16384xf32, #tpu.memory_space<hbm>>
    %dma_wait3A_90 = tpu.memref_slice %arg4[%add3A_64] : memref<4194304xf32, #tpu.memory_space<hbm>> -> memref<16384xf32, #tpu.memory_space<hbm>>
    tpu.wait_dma2 semaphore(%arg15 : memref<!tpu.dma_semaphore, #tpu.memory_space<semaphore_mem>>) src(%arg9 : memref<16384xf32, #tpu.memory_space<vmem>>) dst(%dma_wait3A_90 : memref<16384xf32, #tpu.memory_space<hbm>>)
    %dma_start3A_91 = arith.constant 0 : i32
    %dma_start3A_92 = tpu.memref_slice %arg5[%dma_start3A_91] : memref<1001472xf32, #tpu.memory_space<vmem_shared>> -> memref<1001472xf32, #tpu.memory_space<vmem_shared>>
    tpu.enqueue_indirect_dma source(%dma_start3A_92 : memref<1001472xf32, #tpu.memory_space<vmem_shared>>) target(%arg9 : memref<16384xf32, #tpu.memory_space<vmem>>) offsets(%arg7 : memref<16384xi32, #tpu.memory_space<vmem>>) semaphore(%arg13 : memref<!tpu.dma_semaphore, #tpu.memory_space<semaphore_mem>>)
    %dma_wait3A_93 = arith.constant 0 : i32
    %dma_wait3A_94 = tpu.memref_slice %arg5[%dma_wait3A_93] : memref<1001472xf32, #tpu.memory_space<vmem_shared>> -> memref<1001472xf32, #tpu.memory_space<vmem_shared>>
    tpu.wait_indirect_dma semaphore(%arg13 : memref<!tpu.dma_semaphore, #tpu.memory_space<semaphore_mem>>) src(%dma_wait3A_94 : memref<1001472xf32, #tpu.memory_space<vmem_shared>>) dst(%arg9 : memref<16384xf32, #tpu.memory_space<vmem>>)
    %add3A_95 = arith.constant 81920 : i32
    %add3A_96 = arith.addi %mul3A_2, %add3A_95 : i32
    %dma_start3A_97 = tpu.memref_slice %arg4[%add3A_96] : memref<4194304xf32, #tpu.memory_space<hbm>> -> memref<16384xf32, #tpu.memory_space<hbm>>
    %dma_start3A_98 = tpu.memref_slice %arg4[%add3A_96] : memref<4194304xf32, #tpu.memory_space<hbm>> -> memref<16384xf32, #tpu.memory_space<hbm>>
    tpu.enqueue_dma source(%arg9 : memref<16384xf32, #tpu.memory_space<vmem>>) target(%dma_start3A_98 : memref<16384xf32, #tpu.memory_space<hbm>>) target_semaphore(%arg15 : memref<!tpu.dma_semaphore, #tpu.memory_space<semaphore_mem>>)
    %add3A_99 = arith.constant 114688 : i32
    %add3A_100 = arith.addi %mul3A_2, %add3A_99 : i32
    %dma_start3A_101 = tpu.memref_slice %arg3[%add3A_100] : memref<4194304xi32, #tpu.memory_space<hbm>> -> memref<16384xi32, #tpu.memory_space<hbm>>
    %dma_start3A_102 = tpu.memref_slice %arg3[%add3A_100] : memref<4194304xi32, #tpu.memory_space<hbm>> -> memref<16384xi32, #tpu.memory_space<hbm>>
    tpu.enqueue_dma source(%dma_start3A_102 : memref<16384xi32, #tpu.memory_space<hbm>>) target(%arg7 : memref<16384xi32, #tpu.memory_space<vmem>>) target_semaphore(%arg11 : memref<!tpu.dma_semaphore, #tpu.memory_space<semaphore_mem>>)
    %dma_wait3A_103 = tpu.memref_slice %arg3[%add3A_84] : memref<4194304xi32, #tpu.memory_space<hbm>> -> memref<16384xi32, #tpu.memory_space<hbm>>
    %dma_wait3A_104 = tpu.memref_slice %arg3[%add3A_84] : memref<4194304xi32, #tpu.memory_space<hbm>> -> memref<16384xi32, #tpu.memory_space<hbm>>
    tpu.wait_dma2 semaphore(%arg10 : memref<!tpu.dma_semaphore, #tpu.memory_space<semaphore_mem>>) src(%dma_wait3A_104 : memref<16384xi32, #tpu.memory_space<hbm>>) dst(%arg6 : memref<16384xi32, #tpu.memory_space<vmem>>)
    %dma_wait3A_105 = tpu.memref_slice %arg4[%add3A_80] : memref<4194304xf32, #tpu.memory_space<hbm>> -> memref<16384xf32, #tpu.memory_space<hbm>>
    %dma_wait3A_106 = tpu.memref_slice %arg4[%add3A_80] : memref<4194304xf32, #tpu.memory_space<hbm>> -> memref<16384xf32, #tpu.memory_space<hbm>>
    tpu.wait_dma2 semaphore(%arg14 : memref<!tpu.dma_semaphore, #tpu.memory_space<semaphore_mem>>) src(%arg8 : memref<16384xf32, #tpu.memory_space<vmem>>) dst(%dma_wait3A_106 : memref<16384xf32, #tpu.memory_space<hbm>>)
    %dma_start3A_107 = arith.constant 0 : i32
    %dma_start3A_108 = tpu.memref_slice %arg5[%dma_start3A_107] : memref<1001472xf32, #tpu.memory_space<vmem_shared>> -> memref<1001472xf32, #tpu.memory_space<vmem_shared>>
    tpu.enqueue_indirect_dma source(%dma_start3A_108 : memref<1001472xf32, #tpu.memory_space<vmem_shared>>) target(%arg8 : memref<16384xf32, #tpu.memory_space<vmem>>) offsets(%arg6 : memref<16384xi32, #tpu.memory_space<vmem>>) semaphore(%arg12 : memref<!tpu.dma_semaphore, #tpu.memory_space<semaphore_mem>>)
    %dma_wait3A_109 = arith.constant 0 : i32
    %dma_wait3A_110 = tpu.memref_slice %arg5[%dma_wait3A_109] : memref<1001472xf32, #tpu.memory_space<vmem_shared>> -> memref<1001472xf32, #tpu.memory_space<vmem_shared>>
    tpu.wait_indirect_dma semaphore(%arg12 : memref<!tpu.dma_semaphore, #tpu.memory_space<semaphore_mem>>) src(%dma_wait3A_110 : memref<1001472xf32, #tpu.memory_space<vmem_shared>>) dst(%arg8 : memref<16384xf32, #tpu.memory_space<vmem>>)
    %add3A_111 = arith.constant 98304 : i32
    %add3A_112 = arith.addi %mul3A_2, %add3A_111 : i32
    %dma_start3A_113 = tpu.memref_slice %arg4[%add3A_112] : memref<4194304xf32, #tpu.memory_space<hbm>> -> memref<16384xf32, #tpu.memory_space<hbm>>
    %dma_start3A_114 = tpu.memref_slice %arg4[%add3A_112] : memref<4194304xf32, #tpu.memory_space<hbm>> -> memref<16384xf32, #tpu.memory_space<hbm>>
    tpu.enqueue_dma source(%arg8 : memref<16384xf32, #tpu.memory_space<vmem>>) target(%dma_start3A_114 : memref<16384xf32, #tpu.memory_space<hbm>>) target_semaphore(%arg14 : memref<!tpu.dma_semaphore, #tpu.memory_space<semaphore_mem>>)
    %dma_wait3A_115 = tpu.memref_slice %arg3[%add3A_100] : memref<4194304xi32, #tpu.memory_space<hbm>> -> memref<16384xi32, #tpu.memory_space<hbm>>
    %dma_wait3A_116 = tpu.memref_slice %arg3[%add3A_100] : memref<4194304xi32, #tpu.memory_space<hbm>> -> memref<16384xi32, #tpu.memory_space<hbm>>
    tpu.wait_dma2 semaphore(%arg11 : memref<!tpu.dma_semaphore, #tpu.memory_space<semaphore_mem>>) src(%dma_wait3A_116 : memref<16384xi32, #tpu.memory_space<hbm>>) dst(%arg7 : memref<16384xi32, #tpu.memory_space<vmem>>)
    %dma_wait3A_117 = tpu.memref_slice %arg4[%add3A_96] : memref<4194304xf32, #tpu.memory_space<hbm>> -> memref<16384xf32, #tpu.memory_space<hbm>>
    %dma_wait3A_118 = tpu.memref_slice %arg4[%add3A_96] : memref<4194304xf32, #tpu.memory_space<hbm>> -> memref<16384xf32, #tpu.memory_space<hbm>>
    tpu.wait_dma2 semaphore(%arg15 : memref<!tpu.dma_semaphore, #tpu.memory_space<semaphore_mem>>) src(%arg9 : memref<16384xf32, #tpu.memory_space<vmem>>) dst(%dma_wait3A_118 : memref<16384xf32, #tpu.memory_space<hbm>>)
    %dma_start3A_119 = arith.constant 0 : i32
    %dma_start3A_120 = tpu.memref_slice %arg5[%dma_start3A_119] : memref<1001472xf32, #tpu.memory_space<vmem_shared>> -> memref<1001472xf32, #tpu.memory_space<vmem_shared>>
    tpu.enqueue_indirect_dma source(%dma_start3A_120 : memref<1001472xf32, #tpu.memory_space<vmem_shared>>) target(%arg9 : memref<16384xf32, #tpu.memory_space<vmem>>) offsets(%arg7 : memref<16384xi32, #tpu.memory_space<vmem>>) semaphore(%arg13 : memref<!tpu.dma_semaphore, #tpu.memory_space<semaphore_mem>>)
    %dma_wait3A_121 = arith.constant 0 : i32
    %dma_wait3A_122 = tpu.memref_slice %arg5[%dma_wait3A_121] : memref<1001472xf32, #tpu.memory_space<vmem_shared>> -> memref<1001472xf32, #tpu.memory_space<vmem_shared>>
    tpu.wait_indirect_dma semaphore(%arg13 : memref<!tpu.dma_semaphore, #tpu.memory_space<semaphore_mem>>) src(%dma_wait3A_122 : memref<1001472xf32, #tpu.memory_space<vmem_shared>>) dst(%arg9 : memref<16384xf32, #tpu.memory_space<vmem>>)
    %add3A_123 = arith.constant 114688 : i32
    %add3A_124 = arith.addi %mul3A_2, %add3A_123 : i32
    %dma_start3A_125 = tpu.memref_slice %arg4[%add3A_124] : memref<4194304xf32, #tpu.memory_space<hbm>> -> memref<16384xf32, #tpu.memory_space<hbm>>
    %dma_start3A_126 = tpu.memref_slice %arg4[%add3A_124] : memref<4194304xf32, #tpu.memory_space<hbm>> -> memref<16384xf32, #tpu.memory_space<hbm>>
    tpu.enqueue_dma source(%arg9 : memref<16384xf32, #tpu.memory_space<vmem>>) target(%dma_start3A_126 : memref<16384xf32, #tpu.memory_space<hbm>>) target_semaphore(%arg15 : memref<!tpu.dma_semaphore, #tpu.memory_space<semaphore_mem>>)
    %dma_wait3A_127 = tpu.memref_slice %arg4[%add3A_112] : memref<4194304xf32, #tpu.memory_space<hbm>> -> memref<16384xf32, #tpu.memory_space<hbm>>
    %dma_wait3A_128 = tpu.memref_slice %arg4[%add3A_112] : memref<4194304xf32, #tpu.memory_space<hbm>> -> memref<16384xf32, #tpu.memory_space<hbm>>
    tpu.wait_dma2 semaphore(%arg14 : memref<!tpu.dma_semaphore, #tpu.memory_space<semaphore_mem>>) src(%arg8 : memref<16384xf32, #tpu.memory_space<vmem>>) dst(%dma_wait3A_128 : memref<16384xf32, #tpu.memory_space<hbm>>)
    %dma_wait3A_129 = tpu.memref_slice %arg4[%add3A_124] : memref<4194304xf32, #tpu.memory_space<hbm>> -> memref<16384xf32, #tpu.memory_space<hbm>>
    %dma_wait3A_130 = tpu.memref_slice %arg4[%add3A_124] : memref<4194304xf32, #tpu.memory_space<hbm>> -> memref<16384xf32, #tpu.memory_space<hbm>>
    tpu.wait_dma2 semaphore(%arg15 : memref<!tpu.dma_semaphore, #tpu.memory_space<semaphore_mem>>) src(%arg9 : memref<16384xf32, #tpu.memory_space<vmem>>) dst(%dma_wait3A_130 : memref<16384xf32, #tpu.memory_space<hbm>>)
    return
  }
}

module attributes {stable_mosaic.version = 14 : i64} {
  func.func @_pre_body(%arg0: i32, %arg1: memref<2048x200xi32, #tpu.memory_space<vmem>>, %arg2: memref<256x2x8x128xi32, #tpu.memory_space<vmem>>) attributes {dimension_semantics = [#tpu.dimension_semantics<arbitrary>], iteration_bounds = array<i64: 8>, scalar_prefetch = 0 : i64, scratch_operands = 0 : i64, tpu.core_type = #tpu.core_type<tc>, window_params = [{transform_indices = @transform_0, window_bounds = array<i64: 2048, 200>}, {transform_indices = @transform_1, window_bounds = array<i64: 256, 2, 8, 128>}]} {
    %get3A = arith.constant 0 : index
    %get3A_0 = arith.constant 0 : index
    %get3A_1 = vector.load %arg1[%get3A, %get3A_0] : memref<2048x200xi32, #tpu.memory_space<vmem>>, vector<2048x200xi32>
    %reshape3A = vector.shape_cast %get3A_1 : vector<2048x200xi32> to vector<256x8x200xi32>
    %iota3A = tpu.iota {dimensions = array<i32: 0>} : vector<256x8x56xi32>
    %iota3A_2 = tpu.iota {dimensions = array<i32: 1>} : vector<256x8x56xi32>
    %iota3A_3 = tpu.iota {dimensions = array<i32: 2>} : vector<256x8x56xi32>
    %mul3A = arith.constant 256 : i32
    %mul3A_4 = arith.muli %arg0, %mul3A : i32
    %add3A = vector.broadcast %mul3A_4 : i32 to vector<256x8x56xi32>
    %add3A_5 = arith.addi %add3A, %iota3A : vector<256x8x56xi32>
    %mul3A_6 = arith.constant 8 : i32
    %mul3A_7 = vector.broadcast %mul3A_6 : i32 to vector<256x8x56xi32>
    %mul3A_8 = arith.muli %add3A_5, %mul3A_7 : vector<256x8x56xi32>
    %add3A_9 = arith.addi %mul3A_8, %iota3A_2 : vector<256x8x56xi32>
    %mul3A_10 = arith.constant 56 : i32
    %mul3A_11 = vector.broadcast %mul3A_10 : i32 to vector<256x8x56xi32>
    %mul3A_12 = arith.muli %add3A_9, %mul3A_11 : vector<256x8x56xi32>
    %add3A_13 = arith.addi %mul3A_12, %iota3A_3 : vector<256x8x56xi32>
    %mul3A_14 = arith.constant 40503 : i32
    %mul3A_15 = vector.broadcast %mul3A_14 : i32 to vector<256x8x56xi32>
    %mul3A_16 = arith.muli %add3A_13, %mul3A_15 : vector<256x8x56xi32>
    %and3A = arith.constant 524287 : i32
    %and3A_17 = vector.broadcast %and3A : i32 to vector<256x8x56xi32>
    %and3A_18 = arith.andi %mul3A_16, %and3A_17 : vector<256x8x56xi32>
    %slice3A = vector.extract_strided_slice %reshape3A {offsets = [0, 0, 0], sizes = [256, 8, 128], strides = [1, 1, 1]} : vector<256x8x200xi32> to vector<256x8x128xi32>
    %swap3A = arith.constant 0 : index
    %swap3A_19 = arith.constant 0 : index
    %swap3A_20 = arith.constant 0 : index
    %swap3A_21 = arith.constant 0 : index
    %swap3A_22 = vector.load %arg2[%swap3A, %swap3A_19, %swap3A_20, %swap3A_21] : memref<256x2x8x128xi32, #tpu.memory_space<vmem>>, vector<256x1x8x128xi32>
    %swap3A_23 = vector.shape_cast %swap3A_22 : vector<256x1x8x128xi32> to vector<256x8x128xi32>
    %swap3A_24 = vector.shape_cast %slice3A : vector<256x8x128xi32> to vector<256x1x8x128xi32>
    tpu.vector_store %arg2[%swap3A, %swap3A_19, %swap3A_20, %swap3A_21], %swap3A_24 {strides = array<i32>} : memref<256x2x8x128xi32, #tpu.memory_space<vmem>>, vector<256x1x8x128xi32>,
    %slice3A_25 = vector.extract_strided_slice %reshape3A {offsets = [0, 0, 128], sizes = [256, 8, 72], strides = [1, 1, 1]} : vector<256x8x200xi32> to vector<256x8x72xi32>
    %concatenate3A = tpu.concatenate %slice3A_25, %and3A_18 in 2 : vector<256x8x72xi32>, vector<256x8x56xi32> -> vector<256x8x128xi32>
    %swap3A_26 = arith.constant 0 : index
    %swap3A_27 = arith.constant 1 : index
    %swap3A_28 = arith.constant 0 : index
    %swap3A_29 = arith.constant 0 : index
    %swap3A_30 = vector.load %arg2[%swap3A_26, %swap3A_27, %swap3A_28, %swap3A_29] : memref<256x2x8x128xi32, #tpu.memory_space<vmem>>, vector<256x1x8x128xi32>
    %swap3A_31 = vector.shape_cast %swap3A_30 : vector<256x1x8x128xi32> to vector<256x8x128xi32>
    %swap3A_32 = vector.shape_cast %concatenate3A : vector<256x8x128xi32> to vector<256x1x8x128xi32>
    tpu.vector_store %arg2[%swap3A_26, %swap3A_27, %swap3A_28, %swap3A_29], %swap3A_32 {strides = array<i32>} : memref<256x2x8x128xi32, #tpu.memory_space<vmem>>, vector<256x1x8x128xi32>,
    return
  }
  func.func @transform_0(%arg0: i32) -> (i32, i32) {
    %c0_i32 = arith.constant 0 : i32
    %c0_i32_0 = arith.constant 0 : i32
    return %arg0, %c0_i32 : i32, i32
  }
  func.func @transform_1(%arg0: i32) -> (i32, i32, i32, i32) {
    %c0_i32 = arith.constant 0 : i32
    %c0_i32_0 = arith.constant 0 : i32
    %c0_i32_1 = arith.constant 0 : i32
    %c0_i32_2 = arith.constant 0 : i32
    return %arg0, %c0_i32, %c0_i32_0, %c0_i32_1 : i32, i32, i32, i32
  }
}

module attributes {stable_mosaic.version = 14 : i64} {
  func.func @_table_body(%arg0: memref<8192x128xf32, #tpu.memory_space<vmem>>, %arg1: memref<1048576xf32, #tpu.memory_space<vmem>>) attributes {dimension_semantics = [], scalar_prefetch = 0 : i64, scratch_operands = 0 : i64, tpu.core_type = #tpu.core_type<tc>} {
    %get3A = arith.constant 0 : index
    %get3A_0 = arith.constant 0 : index
    %get3A_1 = vector.load %arg0[%get3A, %get3A_0] : memref<8192x128xf32, #tpu.memory_space<vmem>>, vector<8192x128xf32>
    %broadcast_in_dim3A = arith.constant -1.000000e+30 : f32
    %broadcast_in_dim3A_2 = vector.broadcast %broadcast_in_dim3A : f32 to vector<1x128xf32>
    %slice3A = vector.extract_strided_slice %get3A_1 {offsets = [0, 0], sizes = [8191, 128], strides = [1, 1]} : vector<8192x128xf32> to vector<8191x128xf32>
    %concatenate3A = tpu.concatenate %broadcast_in_dim3A_2, %slice3A in 0 : vector<1x128xf32>, vector<8191x128xf32> -> vector<8192x128xf32>
    %iota3A = tpu.iota {dimensions = array<i32: 1>} : vector<8192x128xi32>
    %iota3A_3 = tpu.iota {dimensions = array<i32: 0>} : vector<8192x128xi32>
    %eq3A = arith.constant 127 : i32
    %eq3A_4 = vector.broadcast %eq3A : i32 to vector<8192x128xi32>
    %eq3A_5 = arith.cmpi eq, %iota3A, %eq3A_4 : vector<8192x128xi32>
    %select_n3A = arith.select %eq3A_5, %concatenate3A, %get3A_1 : vector<8192x128xi1>, vector<8192x128xf32>
    %roll3A = arith.constant 1 : i32
    %roll3A_6 = tpu.dynamic_rotate %select_n3A by %roll3A dim 1 : vector<8192x128xf32>, i32 -> vector<8192x128xf32>
    %mul3A = arith.constant 8.000000e+00 : f32
    %mul3A_7 = vector.broadcast %mul3A : f32 to vector<8192x128xf32>
    %mul3A_8 = arith.mulf %mul3A_7, %roll3A_6 : vector<8192x128xf32>
    %logistic3A = arith.negf %mul3A_8 : vector<8192x128xf32>
    %logistic3A_9 = math.exp %logistic3A : vector<8192x128xf32>
    %logistic3A_10 = arith.constant 1.000000e+00 : f32
    %logistic3A_11 = vector.broadcast %logistic3A_10 : f32 to vector<8192x128xf32>
    %logistic3A_12 = arith.addf %logistic3A_11, %logistic3A_9 : vector<8192x128xf32>
    %logistic3A_13 = arith.divf %logistic3A_11, %logistic3A_12 : vector<8192x128xf32>
    %eq3A_14 = arith.constant 0 : i32
    %eq3A_15 = vector.broadcast %eq3A_14 : i32 to vector<8192x128xi32>
    %eq3A_16 = arith.cmpi eq, %iota3A_3, %eq3A_15 : vector<8192x128xi32>
    %eq3A_17 = arith.constant 0 : i32
    %eq3A_18 = vector.broadcast %eq3A_17 : i32 to vector<8192x128xi32>
    %eq3A_19 = arith.cmpi eq, %iota3A, %eq3A_18 : vector<8192x128xi32>
    %and3A = arith.andi %eq3A_16, %eq3A_19 : vector<8192x128xi1>
    %jit3A = arith.constant 0.000000e+00 : f32
    %broadcast_in_dim3A_20 = vector.broadcast %jit3A : f32 to vector<8192x128xf32>
    %select_n3A_21 = arith.select %and3A, %broadcast_in_dim3A_20, %logistic3A_13 : vector<8192x128xi1>, vector<8192x128xf32>
    %reshape3A = vector.shape_cast %select_n3A_21 : vector<8192x128xf32> to vector<1048576xf32>
    %swap3A = arith.constant 0 : index
    %swap3A_22 = vector.load %arg1[%swap3A] : memref<1048576xf32, #tpu.memory_space<vmem>>, vector<1048576xf32>
    tpu.vector_store %arg1[%swap3A], %reshape3A {strides = array<i32>} : memref<1048576xf32, #tpu.memory_space<vmem>>, vector<1048576xf32>,
    return
  }
}

module attributes {stable_mosaic.version = 14 : i64} {
  func.func @_post_body(%arg0: i32, %arg1: memref<256x2x8x128xf32, #tpu.memory_space<vmem>>, %arg2: memref<2048x200xf32, #tpu.memory_space<vmem>>) attributes {dimension_semantics = [#tpu.dimension_semantics<arbitrary>], iteration_bounds = array<i64: 8>, scalar_prefetch = 0 : i64, scratch_operands = 0 : i64, tpu.core_type = #tpu.core_type<tc>, window_params = [{transform_indices = @transform_0, window_bounds = array<i64: 256, 2, 8, 128>}, {transform_indices = @transform_1, window_bounds = array<i64: 2048, 200>}]} {
    %get3A = arith.constant 0 : index
    %get3A_0 = arith.constant 0 : index
    %get3A_1 = arith.constant 0 : index
    %get3A_2 = arith.constant 0 : index
    %get3A_3 = vector.load %arg1[%get3A, %get3A_0, %get3A_1, %get3A_2] : memref<256x2x8x128xf32, #tpu.memory_space<vmem>>, vector<256x1x8x128xf32>
    %get3A_4 = vector.shape_cast %get3A_3 : vector<256x1x8x128xf32> to vector<256x8x128xf32>
    %get3A_5 = arith.constant 0 : index
    %get3A_6 = arith.constant 1 : index
    %get3A_7 = arith.constant 0 : index
    %get3A_8 = arith.constant 0 : index
    %get3A_9 = vector.load %arg1[%get3A_5, %get3A_6, %get3A_7, %get3A_8] : memref<256x2x8x128xf32, #tpu.memory_space<vmem>>, vector<256x1x8x128xf32>
    %get3A_10 = vector.shape_cast %get3A_9 : vector<256x1x8x128xf32> to vector<256x8x128xf32>
    %slice3A = vector.extract_strided_slice %get3A_10 {offsets = [0, 0, 0], sizes = [256, 8, 72], strides = [1, 1, 1]} : vector<256x8x128xf32> to vector<256x8x72xf32>
    %concatenate3A = tpu.concatenate %get3A_4, %slice3A in 2 : vector<256x8x128xf32>, vector<256x8x72xf32> -> vector<256x8x200xf32>
    %reshape3A = vector.shape_cast %concatenate3A : vector<256x8x200xf32> to vector<2048x200xf32>
    %swap3A = arith.constant 0 : index
    %swap3A_11 = arith.constant 0 : index
    %swap3A_12 = vector.load %arg2[%swap3A, %swap3A_11] : memref<2048x200xf32, #tpu.memory_space<vmem>>, vector<2048x200xf32>
    tpu.vector_store %arg2[%swap3A, %swap3A_11], %reshape3A {strides = array<i32>} : memref<2048x200xf32, #tpu.memory_space<vmem>>, vector<2048x200xf32>,
    return
  }
  func.func @transform_0(%arg0: i32) -> (i32, i32, i32, i32) {
    %c0_i32 = arith.constant 0 : i32
    %c0_i32_0 = arith.constant 0 : i32
    %c0_i32_1 = arith.constant 0 : i32
    %c0_i32_2 = arith.constant 0 : i32
    return %arg0, %c0_i32, %c0_i32_0, %c0_i32_1 : i32, i32, i32, i32
  }
  func.func @transform_1(%arg0: i32) -> (i32, i32) {
    %c0_i32 = arith.constant 0 : i32
    %c0_i32_0 = arith.constant 0 : i32
    return %arg0, %c0_i32 : i32, i32
  }
}

</mosaic_0001>

<sc_bundles>
// kernel: kernel.6.cloned.1.call-start
scs
__scs_entry_jumppad:
0x0: {  	(pc) =	sbr.rel $0x88, $3  }
0x1: {  	(tag) =	ssettag $0x0;
	lr =	simm.s32 $0x1  }
0x2: {  	[smem:$0x3F9F] =	sst lr;
	_ =	strace $0xD0000000  }
0x3: {  	_ = 	snop  }
0x4: {  	_ = 	snop  }
0x5: {  	_ = 	snop  }
0x6: {  	_ = 	snop  }
0x7: {  	_ = 	snop  }
__scs_overlays_trampoline_lowered:
0x8: {  	[smem:$0x3FAE] =	sst s0  }
0x9: {  	[smem:$0x3FAF] =	sst s1  }
0xa: {  	[smem:$0x3FB0] =	sst s2  }
0xb: {  	[smem:$0x3FB1] =	sst s3  }
0xc: {  	[smem:$0x3FB2] =	sst s4  }
0xd: {  	[smem:$0x3FB3] =	sst s5  }
0xe: {  	[smem:$0x3FB4] =	sst s6  }
0xf: {  	[smem:$0x3FB5] =	sst s7  }
0x10: {  	[smem:$0x3FB6] =	sst s8  }
0x11: {  	[smem:$0x3FB7] =	sst s9;
	s0 =	simm.s32 @!p0 $0x0  }
0x12: {  	s1 =	sld [smem:$0x3F9D];
	s0 =	simm.s32 @p0 $0x1  }
0x13: {  	[smem:$0x3FB8] =	sst s0;
	s0 =	simm.s32 @!p1 $0x0  }
0x14: {  	s2 =	sld [smem:$0x3F9C];
	s0 =	simm.s32 @p1 $0x1  }
0x15: {  	[smem:$0x3FB9] =	sst s0;
	s0 =	simm.s32 @!p2 $0x0  }
0x16: {  	s3 =	sld [smem:$0x3FDB];
	s0 =	simm.s32 @p2 $0x1  }
0x17: {  	s4 =	simm.s32 $0x1BF5;
	[smem:$0x3FBB] =	sst s0  }
0x18: {  	s0 =	sld [smem:$0x3F9E];
	_ =	swait.ge [sflag:s4], $0x0  }
0x19: {  	s7 =	sld [smem:$0x3F9F]  }
0x1a: {  	s8 =	sadd.s32 $0xFFFFE003, lr  }
0x1b: {  	s9 =	sadd.s32 $0xFFFFFEF7, lr;
	s5 =	simm.s32 $0xFFFFFFFF;
	p2 =	slt.u32 s8, $0xFFFFF086  }
0x1c: {  	p1 =	slt.u32 s9, $0xF7A;
	s5 =	simm.s32 @!p2 $0x0  }
0x1d: {  	s5 =	simm.s32 @p1 $0x1;
	p0 =	seq.s32 s7, s2  }
0x1e: {  	s7 =	smul.u32 @!p0 $0xF7A, s2;
	p2 =	seq.s32 @!p0 s5, $0x0  }
0x1f: {  	s9 =	smul.u32 $0xF7A, s1;
	s8 =	simm.s32 @!p0 $0x1BF5;
	p2 =	por !p2, p0  }
0x20: {  	[sflag:s8] =	ssyncset.s32 @!p0 $0xFFFFF086;
	s6 =	sadd.s32 @!p0 s3, s7;
	s7 =	simm.s32 @!p0 $0x108  }
0x21: {  	s3 =	sadd.s32 s3, s9;
	s6 =	sadd.s32 @!p0 $0x88, s6;
	s7 =	simm.s32 @p2 $0x1082  }
0x22: {  	[simem:s7], [sflag:s8] =	dma.local @!p0 [hbm:s6], $0xF7A  }
0x23: {  	s9 =	sor.u32 $0xD0000000, s2;
	s6 =	simm.s32 $0x108;
	_ =	swait.ge @!p0 [sflag:s8], $0x0  }
0x24: {  	s3 =	sadd.s32 $0x88, s3;
	s6 =	simm.s32 @!p1 $0x1082;
	[sflag:s4] =	ssyncset.s32 $0xFFFFF086  }
0x25: {  	[simem:s6], [sflag:s4] =	dma.local [hbm:s3], $0xF7A  }
0x26: {  	[smem:$0x3F9F] =	sst s1;
	(tag) =	ssettag s2;
	_ =	strace s9  }
0x27: {  	s1 =	sld [smem:$0x3FAF]  }
0x28: {  	s2 =	sld [smem:$0x3FB0]  }
0x29: {  	s4 =	sld [smem:$0x3FB2]  }
0x2a: {  	p0 =	seq.s32 s5, $0x0;
	s5 =	sld [smem:$0x3FB3]  }
0x2b: {  	s6 =	sld [smem:$0x3FB4]  }
0x2c: {  	s7 =	sld [smem:$0x3FB5]  }
0x2d: {  	s3 =	simm.s32 $0x108;
	s8 =	sld [smem:$0x3FB6]  }
0x2e: {  	s3 =	simm.s32 @!p0 $0x1082;
	s9 =	sld [smem:$0x3FB7]  }
0x2f: {  	lr =	sadd.s32 s0, s3;
	s0 =	sld [smem:$0x3FAE]  }
0x30: {  	s3 =	sld [smem:$0x3FB1]  }
0x31: {  	[smem:$0x3FBA] =	sst s10  }
0x32: {  	s10 =	sld [smem:$0x3FB8];
	_ =	sdelay $0x3  }
0x33: {  	p0 =	seq.s32 s10, $0x1;
	s10 =	sld [smem:$0x3FBA];
	_ =	sdelay $0x3  }
0x34: {  	[smem:$0x3FBA] =	sst s10  }
0x35: {  	s10 =	sld [smem:$0x3FB9];
	_ =	sdelay $0x3  }
0x36: {  	p1 =	seq.s32 s10, $0x1;
	s10 =	sld [smem:$0x3FBA];
	_ =	sdelay $0x3  }
0x37: {  	[smem:$0x3FBA] =	sst s10  }
0x38: {  	s10 =	sld [smem:$0x3FBB]  }
0x39: {  	_ = 	snop;
	(pc) =	sbr.ind lr, $3  }
0x3a: {  	_ = 	snop  }
0x3b: {  	_ = 	snop  }
0x3c: {  	p2 =	seq.s32 s10, $0x1;
	s10 =	sld [smem:$0x3FBA]  }
0x3d: {  	_ =	shalt  }
0x3e: {  	_ =	shalt  }
0x3f: {  	_ =	shalt  }
0x40: {  	_ =	shalt  }
0x41: {  	_ =	shalt  }
0x42: {  	_ =	shalt  }
0x43: {  	_ =	shalt  }
0x44: {  	_ =	shalt  }
0x45: {  	_ =	shalt  }
0x46: {  	_ =	shalt  }
0x47: {  	_ =	shalt  }
0x48: {  	_ =	shalt  }
0x49: {  	_ =	shalt  }
0x4a: {  	_ =	shalt  }
0x4b: {  	_ =	shalt  }
0x4c: {  	_ =	shalt  }
0x4d: {  	_ =	shalt  }
0x4e: {  	_ =	shalt  }
0x4f: {  	_ =	shalt  }
0x50: {  	_ =	shalt  }
0x51: {  	_ =	shalt  }
0x52: {  	_ =	shalt  }
0x53: {  	_ =	shalt  }
0x54: {  	_ =	shalt  }
0x55: {  	_ =	shalt  }
0x56: {  	_ =	shalt  }
0x57: {  	_ =	shalt  }
0x58: {  	_ =	shalt  }
0x59: {  	_ =	shalt  }
0x5a: {  	_ =	shalt  }
0x5b: {  	_ =	shalt  }
0x5c: {  	_ =	shalt  }
0x5d: {  	_ =	shalt  }
0x5e: {  	_ =	shalt  }
0x5f: {  	_ =	shalt  }
0x60: {  	_ =	shalt  }
0x61: {  	_ =	shalt  }
0x62: {  	_ =	shalt  }
0x63: {  	_ =	shalt  }
0x64: {  	_ =	shalt  }
0x65: {  	_ =	shalt  }
0x66: {  	_ =	shalt  }
0x67: {  	_ =	shalt  }
0x68: {  	_ =	shalt  }
0x69: {  	_ =	shalt  }
0x6a: {  	_ =	shalt  }
0x6b: {  	_ =	shalt  }
0x6c: {  	_ =	shalt  }
0x6d: {  	_ =	shalt  }
0x6e: {  	_ =	shalt  }
0x6f: {  	_ =	shalt  }
0x70: {  	_ =	shalt  }
0x71: {  	_ =	shalt  }
0x72: {  	_ =	shalt  }
0x73: {  	_ =	shalt  }
0x74: {  	_ =	shalt  }
0x75: {  	_ =	shalt  }
0x76: {  	_ =	shalt  }
0x77: {  	_ =	shalt  }
0x78: {  	_ =	shalt  }
0x79: {  	_ =	shalt  }
0x7a: {  	_ =	shalt  }
0x7b: {  	_ =	shalt  }
0x7c: {  	_ =	shalt  }
0x7d: {  	_ =	shalt  }
0x7e: {  	_ =	shalt  }
0x7f: {  	_ =	shalt  }
0x80: {  	_ =	shalt  }
0x81: {  	_ =	shalt  }
0x82: {  	_ =	shalt  }
0x83: {  	_ =	shalt  }
0x84: {  	_ =	shalt  }
0x85: {  	_ =	shalt  }
0x86: {  	_ =	shalt  }
0x87: {  	_ =	shalt  }
.Lfunc_end0:
.L_simem_size_0:
called_computation_lowered:
.L_overlay_start_0:
0x88: {  	s2 =	sld [smem:$0x3FD9]  }
0x89: {  	s3 =	sld [smem:$0x3FFE];
	_ =	sdelay $0x1  }
0x8a: {  	s1 =	srdreg.scid  }
0x8b: {  	s0 =	sand.u32 $0x1, s1  }
0x8c: {  	s17 =	sshll.u32 s0, $0xA;
	s2 =	sadd.s32 s3, s2  }
0x8d: {  	s2 =	sadd.s32 s2, s17  }
0x8e: {  	[smem:$0x3FC6] =	sst s2  }
0x8f: {  	_ = 	snop  }
0x90: {  	s2 =	sld [smem:$0x3FD0];
	(tm) =	ssettm $0x1  }
0x91: {  	s18 =	sld [smem:$0x3FFB];
	_ =	sdelay $0x3  }
0x92: {  	_ =	strace s18  }
0x93: {  	s3 =	sld [smem:$0x3FFC];
	_ =	sdelay $0x3  }
0x94: {  	_ =	strace s3  }
0x95: {  	s3 =	sld [smem:$0x3FFD];
	_ =	sdelay $0x3  }
0x96: {  	_ =	strace s3  }
0x97: {  	_ =	strace $0x8FFFFFFF  }
0x98: {  	s19 =	sld [smem:$0x3FDB];
	_ =	sdelay $0x1  }
0x99: {  	s4 =	simm.s32 $_scs_section_size  }
0x9a: {  	s5 =	simm.s32 $_size__tile_overlayer_lowered;
	s6 =	simm.s32 $_tile_overlayer_lowered  }
0x9b: {  	s22 =	simm.s32 $0x1BFF;
	s21 =	sshll.u32 s6, $0x1;
	s3 =	sadd.s32 s4, s19  }
0x9c: {  	s7 =	simm.s32 $0x0;
	s20 =	sshll.u32 s5, $0x1;
	s5 =	sadd.s32 s21, s3  }
0x9d: {  	[timem:s7], [sflag:s22] =	dma.local [hbm:s5], s20  }
0x9e: {  	_ =	swait.ge [sflag:s22], s20  }
0x9f: {  	s4 =	ssub.s32 $0x0, s20;
	[sflag:s22] =	ssyncset.done $0x0  }
0xa0: {  	[sflag:s22] =	ssyncadd.s32 s4;
	_ =	sdelay $0x1  }
0xa1: {  	s23 =	simm.s32 $0x1B8B  }
0xa2: {  	_ =	swait.ge [sflag:s23], $0x1  }
0xa3: {  	[sflag:s23] =	ssyncset.done $0x0  }
0xa4: {  	s25 =	simm.s32 $0x1B8E;
	s24 =	sld [smem:$0x3FFE];
	[sflag:s23] =	ssyncadd.s32 $0xFFFFFFFF  }
0xa5: {  	s26 =	simm.s32 $execute0_lowered;
	[smem:$0x3FD2] =	sst s25  }
0xa6: {  	s5 =	sshll.u32 s26, $0x1;
	_ =	strace $0x80000046;
	[dreg:$0x1] =	wrdreg $0xFFFFFFFF  }
0xa7: {  	s28 =	simm.s32 $_size_execute0_lowered;
	s3 =	sadd.s32 s3, s5;
	[dreg:$0x0] =	wrdreg $0x0  }
0xa8: {  	s5 =	sshll.u32 s28, $0x1;
	[dreg:$0x2] =	wrdreg s3  }
0xa9: {  	[dreg:$0x3] =	wrdreg s5  }
0xaa: {  	[dreg:$0x4] =	wrdreg $0xC0  }
0xab: {  	_ =	task [dreg:s7], $0x5FFFF  }
0xac: {  	[dreg:$0x1] =	wrdreg $0xFFFFFFFF  }
0xad: {  	[dreg:$0x0] =	wrdreg $0x60  }
0xae: {  	[dreg:$0x2] =	wrdreg s2  }
0xaf: {  	[dreg:$0x3] =	wrdreg s24  }
0xb0: {  	[dreg:$0x4] =	wrdreg $0x0  }
0xb1: {  	[dreg:$0x5] =	wrdreg $0x9  }
0xb2: {  	_ =	task.clear_ibuf [dreg:s7], $0x6FFFF;
	_ =	strace $0x90000046  }
0xb3: {  	s29 =	simm.s32 $0x9;
	_ =	strace $0x80000048  }
0xb4: {  	_ =	swait.ge [sflag:s29], $0x1  }
0xb5: {  	[sflag:s29] =	ssyncadd.s32 $0xFFFFFFFF  }
0xb6: {  	_ =	strace $0x90000048  }
0xb7: {  	_ =	sfence  }
0xb8: {  	s30 =	sld [smem:$0x0];
	_ =	sdelay $0x2  }
0xb9: {  	s31 =	sshll.u32 s1, $0xD;
	s1 =	sshrl.u32 s1, $0x2  }
0xba: {  	s3 =	sand.u32 $0x4000, s31;
	s1 =	sadd.s32 s1, s30  }
0xbb: {  	s0 =	sor.u32 s3, s0;
	s1 =	sshll.u32 s1, $0x11  }
0xbc: {  	s0 =	sor.u32 s1, s0  }
0xbd: {  	s0 =	sadd.s32 $0x8F2B, s0  }
0xbe: {  	[sflag:s0] =	ssyncadd.remote.s32 $0x1  }
0xbf: {  	_ =	sfence.sel $0xFFFF  }
0xc0: {  	[dreg:$0x0] =	wrdreg $0xFFFFFFFF;
	(pc) =	sbr.abs _section_cstart, $3  }
0xc1: {  	[dreg:$0x1] =	wrdreg $0xFFFFFFFF  }
0xc2: {  	_ =	task.clear_ibuf [dreg:s7], $0x2FFFF;
	_ =	strace $0x9FFFFFFF  }
0xc3: {  	(tm) =	ssettm $0x7FFFFFFF  }
tec
execute0_lowered:
.L_overlay_start_1:
0x0: {  	(tag) =	ssettag $0x1  }
0x1: {  	s4 =	rddreg [dreg:$0x0]  }
0x2: {  	s12 =	rddreg [dreg:$0x1]  }
0x3: {  	s2 =	rddreg [dreg:$0x2]  }
0x4: {  	s0 =	srdreg.scid;
	s3 =	simm.s32 $0x0;
	s1 =	stileid.u32  }
0x5: {  	s0 =	sand.u32 $0x1, s0;
	s5 =	sshll.u32 s1, $0xF;
	s7 =	smul.u32 $0xF480, s1  }
0x6: {  	[smem:$0x7FF] =	sst s3;
	s29 =	sadd.s32 $0xA00, s12;
	s19 =	sshll.u32 s1, $0x6  }
0x7: {  	[dreg:$0xa] =	wrdreg s0;
	s6 =	sshll.u32 s0, $0xE;
	s20 =	sor.u32 $0x1C07, s19  }
0x8: {  	s30 =	sor.u32 s6, s5;
	_ =	strace $0x80000047;
	[dreg:$0x6] =	wrdreg s20  }
0x9: {  	s18 =	sshrl.u32 s7, $0x3;
	s5 =	sadd.s32 s29, s30;
	s23 =	rddreg [dreg:$0x6]  }
0xa: {  	s22 =	sadd.s32 s7, s2;
	s4 =	sadd.s32 s4, s18;
	[dreg:$0x4] =	wrdreg s5  }
0xb: {  	s17 =	sor.u32 $0x800, s30;
	s24 =	sshrl.u32 s22, $0x3;
	[dreg:$0x5] =	wrdreg s4  }
0xc: {  	s21 =	sadd.s32 s29, s17;
	[dreg:$0x8] =	wrdreg s24  }
0xd: {  	[dreg:$0x7] =	wrdreg s21  }
0xe: {  	s8 =	rddreg [dreg:$0x4]  }
0xf: {  	s6 =	simm.s32 $0x7;
	s4 =	simm.s32 $0xF480;
	s9 =	rddreg [dreg:$0x5]  }
0x10: {  	[tilespmem:s4], [sflag:$0x1] =	stream.linear.gather [hbm4b:s8+s3], $0x4000, $0x38;
	[tilespmem:$0x1F480] =	vst v63  }
0x11: {  	[spmem:s24], [sflag:s23] =	dma.local [hbm:s9], $0x1E90  }
0x12: {  	_ =	swait.ge [sflag:s6], $0x1E90  }
0x13: {  	[sflag:s6] =	ssyncset.done $0x0  }
0x14: {  	[sflag:s6] =	ssyncadd.s32 $0xFFFFE170  }
0x15: {  	[bflag:$0x0] =	sbarrier.arrive $0xFFFF  }
0x16: {  	s7 =	simm.s32 $0x13480;
	s8 =	simm.s32 $0x1;
	s25 =	rddreg [dreg:$0x7]  }
0x17: {  	[tilespmem:s7], [sflag:$0x2] =	stream.linear.gather [hbm4b:s25+s3], $0x4000, $0x38;
	[tilespmem:$0x1F480] =	vst v63  }
0x18: {  	_ =	swait.ge [sflag:s8], $0x4000  }
0x19: {  	s10 =	simm.s32 $0x17480;
	[sflag:s8] =	ssyncset.done $0x0  }
0x1a: {  	s11 =	simm.s32 $0x3;
	s9 =	simm.s32 $0x4000;
	[sflag:s8] =	ssyncadd.s32 $0xFFFFC000  }
0x1b: {  	[tilespmem:s10], [sflag:$0x3] =	stream.indirect.gather [spmem:s2], $0x1, s4, s9, $0xb8;
	[tilespmem:$0x1F480] =	vst v63  }
0x1c: {  	_ =	swait.ge [sflag:s11], $0x4000  }
0x1d: {  	s31 =	sadd.s32 $0x80A00, s12;
	[sflag:s11] =	ssyncset.done $0x0  }
0x1e: {  	s26 =	sadd.s32 s31, s30;
	s20 =	sor.u32 $0x1000, s30;
	[sflag:s11] =	ssyncadd.s32 $0xFFFFC000  }
0x1f: {  	[hbm4b:s26+s3] =	stream.linear.scatter [tilespmem:s10], [sflag:$0x5], $0x4000, $0x38;
	[tilespmem:$0x1F480] =	vst v63  }
0x20: {  	s14 =	simm.s32 $0x2;
	s1 =	sadd.s32 s29, s20;
	[dreg:$0x9] =	wrdreg s26  }
0x21: {  	[tilespmem:s4], [sflag:$0x1] =	stream.linear.gather [hbm4b:s1+s3], $0x4000, $0x38;
	[tilespmem:$0x1F480] =	vst v63  }
0x22: {  	_ =	swait.ge [sflag:s14], $0x4000  }
0x23: {  	[sflag:s14] =	ssyncset.done $0x0  }
0x24: {  	s15 =	simm.s32 $0x1B480;
	s16 =	simm.s32 $0x4;
	[sflag:s14] =	ssyncadd.s32 $0xFFFFC000  }
0x25: {  	[tilespmem:s15], [sflag:$0x4] =	stream.indirect.gather [spmem:s2], $0x1, s7, s9, $0xb8;
	[tilespmem:$0x1F480] =	vst v63  }
0x26: {  	_ =	swait.ge [sflag:s16], $0x4000  }
0x27: {  	[sflag:s16] =	ssyncset.done $0x0  }
0x28: {  	s17 =	sadd.s32 s31, s17;
	s23 =	sor.u32 $0x1800, s30;
	[sflag:s16] =	ssyncadd.s32 $0xFFFFC000  }
0x29: {  	[hbm4b:s17+s3] =	stream.linear.scatter [tilespmem:s15], [sflag:$0x6], $0x4000, $0x38;
	[tilespmem:$0x1F480] =	vst v63  }
0x2a: {  	s18 =	sadd.s32 s29, s23  }
0x2b: {  	[tilespmem:s7], [sflag:$0x2] =	stream.linear.gather [hbm4b:s18+s3], $0x4000, $0x38;
	[tilespmem:$0x1F480] =	vst v63  }
0x2c: {  	_ =	swait.ge [sflag:s8], $0x4000  }
0x2d: {  	[sflag:s8] =	ssyncset.done $0x0  }
0x2e: {  	s19 =	simm.s32 $0x5;
	[sflag:s8] =	ssyncadd.s32 $0xFFFFC000  }
0x2f: {  	_ =	swait.ge [sflag:s19], $0x4000  }
0x30: {  	[sflag:s19] =	ssyncset.done $0x0  }
0x31: {  	[sflag:s19] =	ssyncadd.s32 $0xFFFFC000  }
0x32: {  	[tilespmem:s10], [sflag:$0x3] =	stream.indirect.gather [spmem:s2], $0x1, s4, s9, $0xb8;
	[tilespmem:$0x1F480] =	vst v63  }
0x33: {  	_ =	swait.ge [sflag:s11], $0x4000  }
0x34: {  	[sflag:s11] =	ssyncset.done $0x0  }
0x35: {  	s20 =	sadd.s32 s31, s20;
	s25 =	sor.u32 $0x2000, s30;
	[sflag:s11] =	ssyncadd.s32 $0xFFFFC000  }
0x36: {  	[hbm4b:s20+s3] =	stream.linear.scatter [tilespmem:s10], [sflag:$0x5], $0x4000, $0x38;
	[tilespmem:$0x1F480] =	vst v63  }
0x37: {  	s21 =	sadd.s32 s29, s25  }
0x38: {  	[tilespmem:s4], [sflag:$0x1] =	stream.linear.gather [hbm4b:s21+s3], $0x4000, $0x38;
	[tilespmem:$0x1F480] =	vst v63  }
0x39: {  	_ =	swait.ge [sflag:s14], $0x4000  }
0x3a: {  	[sflag:s14] =	ssyncset.done $0x0  }
0x3b: {  	s22 =	simm.s32 $0x6;
	[sflag:s14] =	ssyncadd.s32 $0xFFFFC000  }
0x3c: {  	_ =	swait.ge [sflag:s22], $0x4000  }
0x3d: {  	[sflag:s22] =	ssyncset.done $0x0  }
0x3e: {  	[sflag:s22] =	ssyncadd.s32 $0xFFFFC000  }
0x3f: {  	[tilespmem:s15], [sflag:$0x4] =	stream.indirect.gather [spmem:s2], $0x1, s7, s9, $0xb8;
	[tilespmem:$0x1F480] =	vst v63  }
0x40: {  	_ =	swait.ge [sflag:s16], $0x4000  }
0x41: {  	[sflag:s16] =	ssyncset.done $0x0  }
0x42: {  	s28 =	sor.u32 $0x2800, s30;
	s23 =	sadd.s32 s31, s23;
	[sflag:s16] =	ssyncadd.s32 $0xFFFFC000  }
0x43: {  	[hbm4b:s23+s3] =	stream.linear.scatter [tilespmem:s15], [sflag:$0x6], $0x4000, $0x38;
	[tilespmem:$0x1F480] =	vst v63  }
0x44: {  	s24 =	sadd.s32 s29, s28  }
0x45: {  	[tilespmem:s7], [sflag:$0x2] =	stream.linear.gather [hbm4b:s24+s3], $0x4000, $0x38;
	[tilespmem:$0x1F480] =	vst v63  }
0x46: {  	_ =	swait.ge [sflag:s8], $0x4000  }
0x47: {  	[sflag:s8] =	ssyncset.done $0x0  }
0x48: {  	[sflag:s8] =	ssyncadd.s32 $0xFFFFC000  }
0x49: {  	_ =	swait.ge [sflag:s19], $0x4000  }
0x4a: {  	[sflag:s19] =	ssyncset.done $0x0  }
0x4b: {  	[sflag:s19] =	ssyncadd.s32 $0xFFFFC000  }
0x4c: {  	[tilespmem:s10], [sflag:$0x3] =	stream.indirect.gather [spmem:s2], $0x1, s4, s9, $0xb8;
	[tilespmem:$0x1F480] =	vst v63  }
0x4d: {  	_ =	swait.ge [sflag:s11], $0x4000  }
0x4e: {  	[sflag:s11] =	ssyncset.done $0x0  }
0x4f: {  	s5 =	sor.u32 $0x3000, s30;
	s25 =	sadd.s32 s31, s25;
	[sflag:s11] =	ssyncadd.s32 $0xFFFFC000  }
0x50: {  	[hbm4b:s25+s3] =	stream.linear.scatter [tilespmem:s10], [sflag:$0x5], $0x4000, $0x38;
	[tilespmem:$0x1F480] =	vst v63  }
0x51: {  	s26 =	sadd.s32 s29, s5  }
0x52: {  	[tilespmem:s4], [sflag:$0x1] =	stream.linear.gather [hbm4b:s26+s3], $0x4000, $0x38;
	[tilespmem:$0x1F480] =	vst v63  }
0x53: {  	_ =	swait.ge [sflag:s14], $0x4000  }
0x54: {  	[sflag:s14] =	ssyncset.done $0x0  }
0x55: {  	[sflag:s14] =	ssyncadd.s32 $0xFFFFC000  }
0x56: {  	_ =	swait.ge [sflag:s22], $0x4000  }
0x57: {  	[sflag:s22] =	ssyncset.done $0x0  }
0x58: {  	[sflag:s22] =	ssyncadd.s32 $0xFFFFC000  }
0x59: {  	[tilespmem:s15], [sflag:$0x4] =	stream.indirect.gather [spmem:s2], $0x1, s7, s9, $0xb8;
	[tilespmem:$0x1F480] =	vst v63  }
0x5a: {  	_ =	swait.ge [sflag:s16], $0x4000  }
0x5b: {  	[sflag:s16] =	ssyncset.done $0x0  }
0x5c: {  	s12 =	sor.u32 $0x3800, s30;
	s28 =	sadd.s32 s31, s28;
	[sflag:s16] =	ssyncadd.s32 $0xFFFFC000  }
0x5d: {  	[hbm4b:s28+s3] =	stream.linear.scatter [tilespmem:s15], [sflag:$0x6], $0x4000, $0x38;
	[tilespmem:$0x1F480] =	vst v63  }
0x5e: {  	s29 =	sadd.s32 s29, s12  }
0x5f: {  	[tilespmem:s7], [sflag:$0x2] =	stream.linear.gather [hbm4b:s29+s3], $0x4000, $0x38;
	[tilespmem:$0x1F480] =	vst v63  }
0x60: {  	_ =	swait.ge [sflag:s8], $0x4000  }
0x61: {  	[sflag:s8] =	ssyncset.done $0x0  }
0x62: {  	[sflag:s8] =	ssyncadd.s32 $0xFFFFC000  }
0x63: {  	_ =	swait.ge [sflag:s19], $0x4000  }
0x64: {  	[sflag:s19] =	ssyncset.done $0x0  }
0x65: {  	[sflag:s19] =	ssyncadd.s32 $0xFFFFC000  }
0x66: {  	[tilespmem:s10], [sflag:$0x3] =	stream.indirect.gather [spmem:s2], $0x1, s4, s9, $0xb8;
	[tilespmem:$0x1F480] =	vst v63  }
0x67: {  	_ =	swait.ge [sflag:s11], $0x4000  }
0x68: {  	[sflag:s11] =	ssyncset.done $0x0  }
0x69: {  	s30 =	sadd.s32 s31, s5;
	[sflag:s11] =	ssyncadd.s32 $0xFFFFC000  }
0x6a: {  	[hbm4b:s30+s3] =	stream.linear.scatter [tilespmem:s10], [sflag:$0x5], $0x4000, $0x38;
	[tilespmem:$0x1F480] =	vst v63  }
0x6b: {  	_ =	swait.ge [sflag:s14], $0x4000  }
0x6c: {  	[sflag:s14] =	ssyncset.done $0x0  }
0x6d: {  	[sflag:s14] =	ssyncadd.s32 $0xFFFFC000  }
0x6e: {  	_ =	swait.ge [sflag:s22], $0x4000  }
0x6f: {  	[sflag:s22] =	ssyncset.done $0x0  }
0x70: {  	[sflag:s22] =	ssyncadd.s32 $0xFFFFC000  }
0x71: {  	[tilespmem:s15], [sflag:$0x4] =	stream.indirect.gather [spmem:s2], $0x1, s7, s9, $0xb8;
	[tilespmem:$0x1F480] =	vst v63  }
0x72: {  	_ =	swait.ge [sflag:s16], $0x4000  }
0x73: {  	[sflag:s16] =	ssyncset.done $0x0;
	s5 =	rddreg [dreg:$0xa]  }
0x74: {  	s31 =	sadd.s32 s31, s12;
	s0 =	ssub.s32 $0x2, s5;
	[sflag:s16] =	ssyncadd.s32 $0xFFFFC000  }
0x75: {  	[hbm4b:s31+s3] =	stream.linear.scatter [tilespmem:s15], [sflag:$0x6], $0x4000, $0x38;
	[tilespmem:$0x1F480] =	vst v63  }
0x76: {  	s12 =	sshrl.u32 s0, $0x1  }
0x77: {  	s0 =	ssub.s32 s0, s12  }
0x78: {  	s0 =	smax.u32 s0, $0x1  }
0x79: {  	p0 =	sne.s32 s0, $0x1  }
.Ltmp0:
0x7a: {  	_ = 	snop;
	(pc) =	sbr.rel @!p0 .LBB2_2-.Ltmp0, $4  }
0x7b: {  	_ =	swait.ge [sflag:s19], $0x4000  }
0x7c: {  	[sflag:s19] =	ssyncset.done $0x0  }
0x7d: {  	[sflag:s19] =	ssyncadd.s32 $0xFFFFC000  }
0x7e: {  	s13 =	smov.u32 s1;
	s0 =	sadd.s32 $0xFFFFFFFF, s0;
	_ =	swait.ge [sflag:s22], $0x4000  }
.LBB2_1:
0x7f: {  	s1 =	rddreg [dreg:$0x4]  }
0x80: {  	s5 =	rddreg [dreg:$0x5];
	[sflag:s22] =	ssyncset.done $0x0  }
0x81: {  	s12 =	rddreg [dreg:$0x6];
	[sflag:s22] =	ssyncadd.s32 $0xFFFFC000  }
0x82: {  	[tilespmem:s4], [sflag:$0x1] =	stream.linear.gather [hbm4b:s1+s3], $0x4000, $0x38;
	[tilespmem:$0x1F480] =	vst v63  }
0x83: {  	s1 =	rddreg [dreg:$0x8]  }
0x84: {  	[spmem:s1], [sflag:s12] =	dma.local [hbm:s5], $0x1E90  }
0x85: {  	_ =	swait.ge [sflag:s6], $0x1E90  }
0x86: {  	[sflag:s6] =	ssyncset.done $0x0  }
0x87: {  	[sflag:s6] =	ssyncadd.s32 $0xFFFFE170  }
0x88: {  	[bflag:$0x0] =	sbarrier.arrive $0xFFFF  }
0x89: {  	s5 =	rddreg [dreg:$0x7]  }
0x8a: {  	[tilespmem:s7], [sflag:$0x2] =	stream.linear.gather [hbm4b:s5+s3], $0x4000, $0x38;
	[tilespmem:$0x1F480] =	vst v63  }
0x8b: {  	_ =	swait.ge [sflag:s8], $0x4000  }
0x8c: {  	[sflag:s8] =	ssyncset.done $0x0  }
0x8d: {  	[sflag:s8] =	ssyncadd.s32 $0xFFFFC000  }
0x8e: {  	[tilespmem:s10], [sflag:$0x3] =	stream.indirect.gather [spmem:s2], $0x1, s4, s9, $0xb8;
	[tilespmem:$0x1F480] =	vst v63  }
0x8f: {  	_ =	swait.ge [sflag:s11], $0x4000  }
0x90: {  	[sflag:s11] =	ssyncset.done $0x0  }
0x91: {  	s12 =	rddreg [dreg:$0x9];
	[sflag:s11] =	ssyncadd.s32 $0xFFFFC000  }
0x92: {  	[hbm4b:s12+s3] =	stream.linear.scatter [tilespmem:s10], [sflag:$0x5], $0x4000, $0x38;
	[tilespmem:$0x1F480] =	vst v63  }
0x93: {  	_ = 	snop  }
0x94: {  	[tilespmem:s4], [sflag:$0x1] =	stream.linear.gather [hbm4b:s13+s3], $0x4000, $0x38;
	[tilespmem:$0x1F480] =	vst v63  }
0x95: {  	_ =	swait.ge [sflag:s14], $0x4000  }
0x96: {  	[sflag:s14] =	ssyncset.done $0x0  }
0x97: {  	[sflag:s14] =	ssyncadd.s32 $0xFFFFC000  }
0x98: {  	[tilespmem:s15], [sflag:$0x4] =	stream.indirect.gather [spmem:s2], $0x1, s7, s9, $0xb8;
	[tilespmem:$0x1F480] =	vst v63  }
0x99: {  	_ =	swait.ge [sflag:s16], $0x4000  }
0x9a: {  	[sflag:s16] =	ssyncset.done $0x0  }
0x9b: {  	[sflag:s16] =	ssyncadd.s32 $0xFFFFC000  }
0x9c: {  	[hbm4b:s17+s3] =	stream.linear.scatter [tilespmem:s15], [sflag:$0x6], $0x4000, $0x38;
	[tilespmem:$0x1F480] =	vst v63  }
0x9d: {  	_ = 	snop  }
0x9e: {  	[tilespmem:s7], [sflag:$0x2] =	stream.linear.gather [hbm4b:s18+s3], $0x4000, $0x38;
	[tilespmem:$0x1F480] =	vst v63  }
0x9f: {  	_ =	swait.ge [sflag:s8], $0x4000  }
0xa0: {  	[sflag:s8] =	ssyncset.done $0x0  }
0xa1: {  	[sflag:s8] =	ssyncadd.s32 $0xFFFFC000  }
0xa2: {  	_ =	swait.ge [sflag:s19], $0x4000  }
0xa3: {  	[sflag:s19] =	ssyncset.done $0x0  }
0xa4: {  	[sflag:s19] =	ssyncadd.s32 $0xFFFFC000  }
0xa5: {  	[tilespmem:s10], [sflag:$0x3] =	stream.indirect.gather [spmem:s2], $0x1, s4, s9, $0xb8;
	[tilespmem:$0x1F480] =	vst v63  }
0xa6: {  	_ =	swait.ge [sflag:s11], $0x4000  }
0xa7: {  	[sflag:s11] =	ssyncset.done $0x0  }
0xa8: {  	[sflag:s11] =	ssyncadd.s32 $0xFFFFC000  }
0xa9: {  	[hbm4b:s20+s3] =	stream.linear.scatter [tilespmem:s10], [sflag:$0x5], $0x4000, $0x38;
	[tilespmem:$0x1F480] =	vst v63  }
0xaa: {  	_ = 	snop  }
0xab: {  	[tilespmem:s4], [sflag:$0x1] =	stream.linear.gather [hbm4b:s21+s3], $0x4000, $0x38;
	[tilespmem:$0x1F480] =	vst v63  }
0xac: {  	_ =	swait.ge [sflag:s14], $0x4000  }
0xad: {  	[sflag:s14] =	ssyncset.done $0x0  }
0xae: {  	[sflag:s14] =	ssyncadd.s32 $0xFFFFC000  }
0xaf: {  	_ =	swait.ge [sflag:s22], $0x4000  }
0xb0: {  	[sflag:s22] =	ssyncset.done $0x0  }
0xb1: {  	[sflag:s22] =	ssyncadd.s32 $0xFFFFC000  }
0xb2: {  	[tilespmem:s15], [sflag:$0x4] =	stream.indirect.gather [spmem:s2], $0x1, s7, s9, $0xb8;
	[tilespmem:$0x1F480] =	vst v63  }
0xb3: {  	_ =	swait.ge [sflag:s16], $0x4000  }
0xb4: {  	[sflag:s16] =	ssyncset.done $0x0  }
0xb5: {  	[sflag:s16] =	ssyncadd.s32 $0xFFFFC000  }
0xb6: {  	[hbm4b:s23+s3] =	stream.linear.scatter [tilespmem:s15], [sflag:$0x6], $0x4000, $0x38;
	[tilespmem:$0x1F480] =	vst v63  }
0xb7: {  	_ = 	snop  }
0xb8: {  	[tilespmem:s7], [sflag:$0x2] =	stream.linear.gather [hbm4b:s24+s3], $0x4000, $0x38;
	[tilespmem:$0x1F480] =	vst v63  }
0xb9: {  	_ =	swait.ge [sflag:s8], $0x4000  }
0xba: {  	[sflag:s8] =	ssyncset.done $0x0  }
0xbb: {  	[sflag:s8] =	ssyncadd.s32 $0xFFFFC000  }
0xbc: {  	_ =	swait.ge [sflag:s19], $0x4000  }
0xbd: {  	[sflag:s19] =	ssyncset.done $0x0  }
0xbe: {  	[sflag:s19] =	ssyncadd.s32 $0xFFFFC000  }
0xbf: {  	[tilespmem:s10], [sflag:$0x3] =	stream.indirect.gather [spmem:s2], $0x1, s4, s9, $0xb8;
	[tilespmem:$0x1F480] =	vst v63  }
0xc0: {  	_ =	swait.ge [sflag:s11], $0x4000  }
0xc1: {  	[sflag:s11] =	ssyncset.done $0x0  }
0xc2: {  	[sflag:s11] =	ssyncadd.s32 $0xFFFFC000  }
0xc3: {  	[hbm4b:s25+s3] =	stream.linear.scatter [tilespmem:s10], [sflag:$0x5], $0x4000, $0x38;
	[tilespmem:$0x1F480] =	vst v63  }
0xc4: {  	_ = 	snop  }
0xc5: {  	[tilespmem:s4], [sflag:$0x1] =	stream.linear.gather [hbm4b:s26+s3], $0x4000, $0x38;
	[tilespmem:$0x1F480] =	vst v63  }
0xc6: {  	_ =	swait.ge [sflag:s14], $0x4000  }
0xc7: {  	[sflag:s14] =	ssyncset.done $0x0  }
0xc8: {  	[sflag:s14] =	ssyncadd.s32 $0xFFFFC000  }
0xc9: {  	_ =	swait.ge [sflag:s22], $0x4000  }
0xca: {  	[sflag:s22] =	ssyncset.done $0x0  }
0xcb: {  	[sflag:s22] =	ssyncadd.s32 $0xFFFFC000  }
0xcc: {  	[tilespmem:s15], [sflag:$0x4] =	stream.indirect.gather [spmem:s2], $0x1, s7, s9, $0xb8;
	[tilespmem:$0x1F480] =	vst v63  }
0xcd: {  	_ =	swait.ge [sflag:s16], $0x4000  }
0xce: {  	[sflag:s16] =	ssyncset.done $0x0  }
0xcf: {  	[sflag:s16] =	ssyncadd.s32 $0xFFFFC000  }
0xd0: {  	[hbm4b:s28+s3] =	stream.linear.scatter [tilespmem:s15], [sflag:$0x6], $0x4000, $0x38;
	[tilespmem:$0x1F480] =	vst v63  }
0xd1: {  	_ = 	snop  }
0xd2: {  	[tilespmem:s7], [sflag:$0x2] =	stream.linear.gather [hbm4b:s29+s3], $0x4000, $0x38;
	[tilespmem:$0x1F480] =	vst v63  }
0xd3: {  	_ =	swait.ge [sflag:s8], $0x4000  }
0xd4: {  	[sflag:s8] =	ssyncset.done $0x0  }
0xd5: {  	[sflag:s8] =	ssyncadd.s32 $0xFFFFC000  }
0xd6: {  	_ =	swait.ge [sflag:s19], $0x4000  }
0xd7: {  	[sflag:s19] =	ssyncset.done $0x0  }
0xd8: {  	[sflag:s19] =	ssyncadd.s32 $0xFFFFC000  }
0xd9: {  	[tilespmem:s10], [sflag:$0x3] =	stream.indirect.gather [spmem:s2], $0x1, s4, s9, $0xb8;
	[tilespmem:$0x1F480] =	vst v63  }
0xda: {  	_ =	swait.ge [sflag:s11], $0x4000  }
0xdb: {  	[sflag:s11] =	ssyncset.done $0x0  }
0xdc: {  	[sflag:s11] =	ssyncadd.s32 $0xFFFFC000  }
0xdd: {  	[hbm4b:s30+s3] =	stream.linear.scatter [tilespmem:s10], [sflag:$0x5], $0x4000, $0x38;
	[tilespmem:$0x1F480] =	vst v63  }
0xde: {  	_ =	swait.ge [sflag:s14], $0x4000  }
0xdf: {  	[sflag:s14] =	ssyncset.done $0x0  }
0xe0: {  	[sflag:s14] =	ssyncadd.s32 $0xFFFFC000  }
0xe1: {  	_ =	swait.ge [sflag:s22], $0x4000  }
0xe2: {  	[sflag:s22] =	ssyncset.done $0x0  }
0xe3: {  	[sflag:s22] =	ssyncadd.s32 $0xFFFFC000  }
0xe4: {  	[tilespmem:s15], [sflag:$0x4] =	stream.indirect.gather [spmem:s2], $0x1, s7, s9, $0xb8;
	[tilespmem:$0x1F480] =	vst v63  }
0xe5: {  	_ =	swait.ge [sflag:s16], $0x4000  }
0xe6: {  	[sflag:s16] =	ssyncset.done $0x0  }
0xe7: {  	p0 =	sne.s32 s0, $0x1;
	[sflag:s16] =	ssyncadd.s32 $0xFFFFC000  }
0xe8: {  	[hbm4b:s31+s3] =	stream.linear.scatter [tilespmem:s15], [sflag:$0x6], $0x4000, $0x38;
	[tilespmem:$0x1F480] =	vst v63  }
.Ltmp1:
0xe9: {  	_ = 	snop;
	(pc) =	sbr.rel @p0 .LBB2_1-.Ltmp1, $4  }
0xea: {  	_ =	swait.ge [sflag:s19], $0x4000  }
0xeb: {  	[sflag:s19] =	ssyncset.done $0x0  }
0xec: {  	[sflag:s19] =	ssyncadd.s32 $0xFFFFC000  }
0xed: {  	s0 =	sadd.s32 $0xFFFFFFFF, s0;
	_ =	swait.ge [sflag:s22], $0x4000  }
.LBB2_2:
0xee: {  	[sflag:s22] =	ssyncset.done $0x0  }
0xef: {  	[sflag:s22] =	ssyncadd.s32 $0xFFFFC000  }
0xf0: {  	_ =	sfence.sel $0x180000  }
0xf1: {  	[bflag:$0x0] =	sbarrier.arrive $0xFFFF  }
0xf2: {  	_ =	strace $0x90000047  }
0xf3: {  	s0 =	stileid.u32;
	[bflag:$0x2] =	sbarrier.arrive $0xFFFF  }
0xf4: {  	p0 =	sne.s32 s0, $0x0;
	s0 =	rddreg [dreg:$0x3]  }
0xf5: {  	s0 =	sadd.s32 @!p0 $0x100000, s0  }
0xf6: {  	[sflag:s0] =	ssyncadd.tile.s32 @!p0 $0x1;
	_ =	shalt  }
.Lfunc_end2:
_tile_overlayer_lowered:
.L_overlay_start_2:
0xf7: {  	(tag) =	ssettag $0x2  }
0xf8: {  	s0 =	rddreg [dreg:$0x0];
	s2 =	stileid.u32  }
0xf9: {  	s1 =	rddreg [dreg:$0x1];
	p0 =	sne.s32 s2, $0x0  }
0xfa: {  	s3 =	rddreg [dreg:$0x2];
	[bflag:$0x3] =	sbarrier.arrive $0xFFFF;
	s2 =	simm.s32 @!p0 $0x1C07  }
0xfb: {  	[timem:s3], [sflag:s2] =	dma.local @!p0 [hbm:s0], s1  }
0xfc: {  	s0 =	simm.s32 @!p0 $0x7  }
0xfd: {  	_ =	swait.ge @!p0 [sflag:s0], s1  }
0xfe: {  	s1 =	ssub.s32 @!p0 $0x0, s1;
	[sflag:s0] =	ssyncset.done @!p0 $0x0  }
0xff: {  	[sflag:s0] =	ssyncadd.s32 @!p0 s1  }
0x100: {  	[bflag:$0x3] =	sbarrier.arrive $0xFFFF  }
0x101: {  	_ =	shalt  }

</sc_bundles>
